<compile_context>
chip_gen: v7x
topology: tpu7x:2x2x1
jax: 0.10.2.dev20260603
libtpu: 0.0.44.dev20260713+nightly
codegen_flags: <defaults>
</compile_context>

<pallas_src>
import functools

import jax
import jax.numpy as jnp
from jax import lax
from jax.experimental import pallas as pl
from jax.experimental.pallas import tpu as pltpu
from jax.experimental.pallas import tpu_sc as plsc

NC = 2
NS = 16

B = 10000

N_PAD = 327680
ROWS_BLK = 2048
CHUNK = 1024
HALF = 256
SCAT = 128
CP = 128

SEGS_PER_CORE = B // NC
ACC_ROWS = 5632
TRASH = 5120
OUT_TILE_ROWS = 1000


def _mlp_body(n_rows, x_ref, s_ref, w1_ref, w2_ref, w3_ref, o_ref):
    i = pl.program_id(0)
    bf = jnp.bfloat16
    h = jnp.dot(
        x_ref[...].astype(bf), w1_ref[...].astype(bf),
        preferred_element_type=jnp.float32,
    )
    h = jnp.maximum(h, 0.0)
    h = jnp.dot(
        h.astype(bf), w2_ref[...].astype(bf),
        preferred_element_type=jnp.float32,
    )
    h = jnp.maximum(h, 0.0)
    logits = jnp.dot(
        h.astype(bf), w3_ref[...].astype(bf),
        preferred_element_type=jnp.float32,
    )
    weighted = logits * s_ref[...]
    row = i * ROWS_BLK + lax.broadcasted_iota(jnp.int32, (ROWS_BLK, 1), 0)
    o_ref[...] = jnp.where(row < n_rows, weighted, 0.0)


def _slice_body(c_dim, p_ref, o_ref):
    o_ref[...] = p_ref[:, :c_dim]


def _sc_scatter(weighted, idx2, bounds):
    mesh = plsc.VectorSubcoreMesh(
        core_axis_name="c", subcore_axis_name="s", num_cores=NC, num_subcores=NS
    )
    n_chunks = N_PAD // CHUNK
    chunks_per_t = n_chunks // NS
    idx_rows = CHUNK // SCAT
    n_scat = HALF // SCAT

    @functools.partial(
        pl.kernel,
        mesh=mesh,
        out_type=jax.ShapeDtypeStruct((B, CP), jnp.float32),
        scratch_types=[
            pltpu.VMEM((idx_rows, SCAT), jnp.int32),
            pltpu.VMEM((HALF, CP), jnp.float32),
            pltpu.VMEM((HALF, CP), jnp.float32),
            pltpu.VMEM((80, SCAT), jnp.int32),
            pltpu.SemaphoreType.DMA,
            pltpu.SemaphoreType.DMA,
            pltpu.SemaphoreType.DMA,
            pltpu.SemaphoreType.DMA,
            pltpu.VMEM_SHARED((ACC_ROWS, CP), jnp.float32),
        ],
    )
    def scatter_k(wt_hbm, idx_hbm, bnd_hbm, z_hbm, out_hbm,
                  idx_v, rows_a, rows_b, bnd_v, sem_a, sem_b,
                  ssem_a, ssem_b, acc):
        cid = lax.axis_index("c")
        sid = lax.axis_index("s")
        seg_lo = cid * SEGS_PER_CORE
        seg_hi = seg_lo + SEGS_PER_CORE

        pltpu.sync_copy(bnd_hbm, bnd_v)

        @pl.when(sid == 0)
        def _():
            pltpu.sync_copy(z_hbm, acc)

        plsc.subcore_barrier()

        @pl.loop(0, chunks_per_t)
        def chunk_loop(i):
            c = sid + i * NS
            v_lo = bnd_v[c // 4, pl.ds((c % 4) * 32, 16)]
            v_hi = bnd_v[c // 4, pl.ds((c % 4) * 32 + 16, 16)]
            lo = v_lo[0]
            hi = v_hi[0]

            @pl.when((hi >= seg_lo) & (lo < seg_hi))
            def _():
                pltpu.sync_copy(idx_hbm.at[pl.ds(c * idx_rows, idx_rows)], idx_v)
                for r in range(idx_rows):
                    for k in range(SCAT // 16):
                        v = idx_v[r, pl.ds(k * 16, 16)]
                        inr = (v >= seg_lo) & (v < seg_hi)
                        idx_v[r, pl.ds(k * 16, 16)] = jnp.where(
                            inr, v - seg_lo, TRASH
                        )
                n_halves = CHUNK // HALF
                bufs = [rows_a, rows_b]
                sems = [sem_a, sem_b]
                ssems = [ssem_a, ssem_b]
                loads = [None] * n_halves
                scats = [[] for _ in range(n_halves)]
                loads[0] = pltpu.async_copy(
                    wt_hbm.at[pl.ds(c * CHUNK, HALF)], bufs[0], sems[0]
                )
                for h in range(n_halves):
                    buf, ssem = bufs[h % 2], ssems[h % 2]
                    if h + 1 < n_halves:
                        if h - 1 >= 0:
                            for d in scats[h - 1]:
                                d.wait()
                        loads[h + 1] = pltpu.async_copy(
                            wt_hbm.at[pl.ds(c * CHUNK + (h + 1) * HALF, HALF)],
                            bufs[(h + 1) % 2],
                            sems[(h + 1) % 2],
                        )
                    loads[h].wait()
                    for j in range(n_scat):
                        scats[h].append(
                            pltpu.async_copy(
                                buf.at[pl.ds(j * SCAT, SCAT)],
                                acc.at[idx_v.at[h * n_scat + j]],
                                ssem,
                                add=True,
                            )
                        )
                for d in scats[n_halves - 2] + scats[n_halves - 1]:
                    d.wait()

        plsc.subcore_barrier()

        @pl.when(sid < SEGS_PER_CORE // OUT_TILE_ROWS)
        def _():
            pltpu.sync_copy(
                acc.at[pl.ds(sid * OUT_TILE_ROWS, OUT_TILE_ROWS)],
                out_hbm.at[
                    pl.ds(cid * SEGS_PER_CORE + sid * OUT_TILE_ROWS, OUT_TILE_ROWS)
                ],
            )

    zeros = jnp.zeros((ACC_ROWS, CP), jnp.float32)
    return scatter_k(weighted, idx2, bounds, zeros)


def kernel(X, ppr_scores, ppr_idx, W1, W2, W3):
    n, f = X.shape
    h_dim = W1.shape[1]
    c_dim = W3.shape[1]
    n_blocks = N_PAD // ROWS_BLK
    last_blk = (n - 1) // ROWS_BLK

    scores2 = ppr_scores.reshape(n, 1)
    w3p = jnp.pad(W3, ((0, 0), (0, CP - c_dim)))
    weighted = pl.pallas_call(
        functools.partial(_mlp_body, n),
        grid=(n_blocks,),
        in_specs=[
            pl.BlockSpec((ROWS_BLK, f), lambda i: (jnp.minimum(i, last_blk), 0)),
            pl.BlockSpec((ROWS_BLK, 1), lambda i: (jnp.minimum(i, last_blk), 0)),
            pl.BlockSpec((f, h_dim), lambda i: (0, 0)),
            pl.BlockSpec((h_dim, h_dim), lambda i: (0, 0)),
            pl.BlockSpec((h_dim, CP), lambda i: (0, 0)),
        ],
        out_specs=pl.BlockSpec((ROWS_BLK, CP), lambda i: (i, 0)),
        out_shape=jax.ShapeDtypeStruct((N_PAD, CP), jnp.float32),
    )(X, scores2, W1, W2, w3p)

    idxp = jnp.concatenate(
        [ppr_idx.astype(jnp.int32), jnp.full((N_PAD - n,), B - 1, jnp.int32)]
    )
    idx2 = idxp.reshape(N_PAD // SCAT, SCAT)
    n_chunks = N_PAD // CHUNK
    los = jnp.broadcast_to(idxp[::CHUNK, None], (n_chunks, 16))
    his = jnp.broadcast_to(idxp[CHUNK - 1 :: CHUNK, None], (n_chunks, 16))
    bounds = jnp.concatenate([los, his], axis=1).reshape(80, SCAT)
    acc128 = _sc_scatter(weighted, idx2, bounds)

    out = pl.pallas_call(
        functools.partial(_slice_body, c_dim),
        out_shape=jax.ShapeDtypeStruct((B, c_dim), jnp.float32),
    )(acc128)
    return out

# --- scband reference (transcript-rebuilt; emitter-appended) ---
"""Pipeline reference for scband-pprgo-wrapper-59296318488775 (READ-ONLY COPY).

The authoritative reference and input builder live on the scoring server;
editing this copy changes nothing except your own understanding.
"""

import jax, jax.numpy as jnp
import numpy as np
import math

N = 320000
F = 128
H = 128
C = 64
B = 10000

def setup_inputs(seed: int = 0) -> dict:
    key = jax.random.key(seed)
    k1, k2, k3, k4, k5, k6 = jax.random.split(key, 6)
    X = jax.random.normal(k1, (N, F), dtype=jnp.float32)
    ppr_scores = jax.random.uniform(k2, (N,), dtype=jnp.float32)
    ppr_idx = jnp.sort(jax.random.randint(k3, (N,), 0, B))
    # ensure ppr_idx[-1] + 1 == B so output shape is deterministic
    ppr_idx = ppr_idx.at[-1].set(B - 1)
    # Linear layers (bias=False), kaiming-uniform-like init
    b1 = 1.0 / math.sqrt(F)
    b2 = 1.0 / math.sqrt(H)
    W1 = jax.random.uniform(k4, (F, H), dtype=jnp.float32, minval=-b1, maxval=b1)
    W2 = jax.random.uniform(k5, (H, H), dtype=jnp.float32, minval=-b2, maxval=b2)
    W3 = jax.random.uniform(k6, (H, C), dtype=jnp.float32, minval=-b2, maxval=b2)
    return {"X": X, "ppr_scores": ppr_scores, "ppr_idx": ppr_idx, "W1": W1, "W2": W2, "W3": W3}

def reference(X, ppr_scores, ppr_idx, W1, W2, W3):
    # PPRGoMLP (nlayers=3, dropout=0.0 -> identity, no batch norm)
    h = X @ W1
    h = jax.nn.relu(h)
    h = h @ W2
    h = jax.nn.relu(h)
    logits = h @ W3
    # scatter(logits * ppr_scores[:, None], ppr_idx, dim=0, dim_size=ppr_idx[-1]+1, reduce='sum')
    weighted = logits * ppr_scores[:, None]
    propagated_logits = jax.ops.segment_sum(weighted, ppr_idx, num_segments=B)
    return propagated_logits

if __name__ == "__main__":
    import jax
    _d = setup_inputs()
    print(jax.jit(kernel)(*tuple(_d.values())))

</pallas_src>

<mosaic_0001>
#map = affine_map<(d0, d1) -> (0, 0)>
module attributes {stable_mosaic.version = 14 : i64} {
  func.func @scatter_k(%arg0: i32, %arg1: i32, %arg2: memref<327680x128xf32, #tpu.memory_space<hbm>>, %arg3: memref<2560x128xi32, #tpu.memory_space<hbm>>, %arg4: memref<80x128xi32, #tpu.memory_space<hbm>>, %arg5: memref<5632x128xf32, #tpu.memory_space<hbm>>, %arg6: memref<10000x128xf32, #tpu.memory_space<hbm>>, %arg7: memref<8x128xi32, #tpu.memory_space<vmem>>, %arg8: memref<256x128xf32, #tpu.memory_space<vmem>>, %arg9: memref<256x128xf32, #tpu.memory_space<vmem>>, %arg10: memref<80x128xi32, #tpu.memory_space<vmem>>, %arg11: memref<!tpu.dma_semaphore, #tpu.memory_space<semaphore_mem>>, %arg12: memref<!tpu.dma_semaphore, #tpu.memory_space<semaphore_mem>>, %arg13: memref<!tpu.dma_semaphore, #tpu.memory_space<semaphore_mem>>, %arg14: memref<!tpu.dma_semaphore, #tpu.memory_space<semaphore_mem>>, %arg15: memref<5632x128xf32, #tpu.memory_space<vmem_shared>>) attributes {dimension_semantics = [#tpu.dimension_semantics<core_parallel>, #tpu.dimension_semantics<subcore_parallel>], iteration_bounds = array<i64: 2, 16>, scalar_prefetch = 0 : i64, scratch_operands = 9 : i64, tpu.core_type = #tpu.core_type<sc_vector_subcore>, window_params = [{transform_indices = #map}, {transform_indices = #map}, {transform_indices = #map}, {transform_indices = #map}, {transform_indices = #map}]} {
    %mul3A = arith.constant 5000 : i32
    %mul3A_0 = arith.muli %arg0, %mul3A : i32
    %add3A = arith.constant 5000 : i32
    %add3A_1 = arith.addi %mul3A_0, %add3A : i32
    "tpu.region"() ({
      %run_scoped3A = tpu.sem_alloc : memref<!tpu.dma_semaphore, #tpu.memory_space<semaphore_mem>>
      tpu.enqueue_dma source(%arg4 : memref<80x128xi32, #tpu.memory_space<hbm>>) target(%arg10 : memref<80x128xi32, #tpu.memory_space<vmem>>) target_semaphore(%run_scoped3A : memref<!tpu.dma_semaphore, #tpu.memory_space<semaphore_mem>>)
      tpu.wait_dma2 semaphore(%run_scoped3A : memref<!tpu.dma_semaphore, #tpu.memory_space<semaphore_mem>>) src(%arg4 : memref<80x128xi32, #tpu.memory_space<hbm>>) dst(%arg10 : memref<80x128xi32, #tpu.memory_space<vmem>>)
      tpu.yield
    }) : () -> ()
    %eq3A = arith.constant 0 : i32
    %eq3A_2 = arith.cmpi eq, %arg1, %eq3A : i32
    %convert_element_type3A = arith.extui %eq3A_2 : i1 to i32
    %cond3A = arith.constant 0 : i32
    %cond3A_3 = arith.cmpi ne, %convert_element_type3A, %cond3A : i32
    scf.if %cond3A_3 {
      "tpu.region"() ({
        %run_scoped3A = tpu.sem_alloc : memref<!tpu.dma_semaphore, #tpu.memory_space<semaphore_mem>>
        tpu.enqueue_dma source(%arg5 : memref<5632x128xf32, #tpu.memory_space<hbm>>) target(%arg15 : memref<5632x128xf32, #tpu.memory_space<vmem_shared>>) target_semaphore(%run_scoped3A : memref<!tpu.dma_semaphore, #tpu.memory_space<semaphore_mem>>)
        tpu.wait_dma2 semaphore(%run_scoped3A : memref<!tpu.dma_semaphore, #tpu.memory_space<semaphore_mem>>) src(%arg5 : memref<5632x128xf32, #tpu.memory_space<hbm>>) dst(%arg15 : memref<5632x128xf32, #tpu.memory_space<vmem_shared>>)
        tpu.yield
      }) : () -> ()
    } else {
    }
    %barrier3A = arith.constant 0 : index
    tpu.barrier barrier_id(%barrier3A)
    %scan3A = arith.constant 0 : i32
    %scan3A_4 = arith.constant 20 : i32
    %scan3A_5 = arith.addi %scan3A, %scan3A_4 : i32
    %scan3A_6 = arith.constant 1 : i32
    scf.for %scan3A_13 = %scan3A to %scan3A_5 step %scan3A_6  : i32 {
      %mul3A_14 = arith.constant 1 : i32
      %mul3A_15 = arith.muli %scan3A_13, %mul3A_14 : i32
      %add3A_16 = arith.constant 0 : i32
      %add3A_17 = arith.addi %add3A_16, %mul3A_15 : i32
      %mul3A_18 = arith.constant 16 : i32
      %mul3A_19 = arith.muli %add3A_17, %mul3A_18 : i32
      %add3A_20 = arith.addi %arg1, %mul3A_19 : i32
      %jit3A = arith.constant 4 : i32
      %div3A = arith.divsi %add3A_20, %jit3A : i32
      %sign3A = arith.constant 0 : i32
      %sign3A_21 = arith.cmpi sgt, %add3A_20, %sign3A : i32
      %sign3A_22 = arith.extui %sign3A_21 : i1 to i32
      %sign3A_23 = arith.constant 0 : i32
      %sign3A_24 = arith.cmpi slt, %add3A_20, %sign3A_23 : i32
      %sign3A_25 = arith.extui %sign3A_24 : i1 to i32
      %sign3A_26 = arith.subi %sign3A_22, %sign3A_25 : i32
      %sign3A_27 = arith.constant 0 : i32
      %sign3A_28 = arith.cmpi sgt, %jit3A, %sign3A_27 : i32
      %sign3A_29 = arith.extui %sign3A_28 : i1 to i32
      %sign3A_30 = arith.constant 0 : i32
      %sign3A_31 = arith.cmpi slt, %jit3A, %sign3A_30 : i32
      %sign3A_32 = arith.extui %sign3A_31 : i1 to i32
      %sign3A_33 = arith.subi %sign3A_29, %sign3A_32 : i32
      %ne3A = arith.cmpi ne, %sign3A_26, %sign3A_33 : i32
      %rem3A = arith.remsi %add3A_20, %jit3A : i32
      %ne3A_34 = arith.constant 0 : i32
      %ne3A_35 = arith.cmpi ne, %rem3A, %ne3A_34 : i32
      %and3A = arith.andi %ne3A, %ne3A_35 : i1
      %sub3A = arith.constant 1 : i32
      %sub3A_36 = arith.subi %div3A, %sub3A : i32
      %select_n3A = arith.select %and3A, %sub3A_36, %div3A : i32
      %jit3A_37 = arith.constant 4 : i32
      %eq3A_38 = arith.constant 0 : i32
      %eq3A_39 = arith.cmpi eq, %jit3A_37, %eq3A_38 : i32
      %jit3A_40 = arith.constant 1 : i32
      %select_n3A_41 = arith.select %eq3A_39, %jit3A_40, %jit3A_37 : i32
      %rem3A_42 = arith.remsi %add3A_20, %select_n3A_41 : i32
      %ne3A_43 = arith.constant 0 : i32
      %ne3A_44 = arith.cmpi ne, %rem3A_42, %ne3A_43 : i32
      %lt3A_45 = arith.constant 0 : i32
      %lt3A_46 = arith.cmpi slt, %rem3A_42, %lt3A_45 : i32
      %lt3A_47 = arith.constant 0 : i32
      %lt3A_48 = arith.cmpi slt, %select_n3A_41, %lt3A_47 : i32
      %ne3A_49 = arith.xori %lt3A_46, %lt3A_48 : i1
      %and3A_50 = arith.andi %ne3A_49, %ne3A_44 : i1
      %add3A_51 = arith.addi %rem3A_42, %select_n3A_41 : i32
      %select_n3A_52 = arith.select %and3A_50, %add3A_51, %rem3A_42 : i32
      %mul3A_53 = arith.constant 32 : i32
      %mul3A_54 = arith.muli %select_n3A_52, %mul3A_53 : i32
      %get3A = arith.index_cast %select_n3A : i32 to index
      %get3A_55 = arith.index_cast %mul3A_54 : i32 to index
      %get3A_56 = tpu.vector_load %arg10[%get3A, %get3A_55] {strides = array<i32>} : memref<80x128xi32, #tpu.memory_space<vmem>>, vector<1x16xi32>,
      %get3A_57 = vector.shape_cast %get3A_56 : vector<1x16xi32> to vector<16xi32>
      %jit3A_58 = arith.constant 4 : i32
      %div3A_59 = arith.divsi %add3A_20, %jit3A_58 : i32
      %sign3A_60 = arith.constant 0 : i32
      %sign3A_61 = arith.cmpi sgt, %add3A_20, %sign3A_60 : i32
      %sign3A_62 = arith.extui %sign3A_61 : i1 to i32
      %sign3A_63 = arith.constant 0 : i32
      %sign3A_64 = arith.cmpi slt, %add3A_20, %sign3A_63 : i32
      %sign3A_65 = arith.extui %sign3A_64 : i1 to i32
      %sign3A_66 = arith.subi %sign3A_62, %sign3A_65 : i32
      %sign3A_67 = arith.constant 0 : i32
      %sign3A_68 = arith.cmpi sgt, %jit3A_58, %sign3A_67 : i32
      %sign3A_69 = arith.extui %sign3A_68 : i1 to i32
      %sign3A_70 = arith.constant 0 : i32
      %sign3A_71 = arith.cmpi slt, %jit3A_58, %sign3A_70 : i32
      %sign3A_72 = arith.extui %sign3A_71 : i1 to i32
      %sign3A_73 = arith.subi %sign3A_69, %sign3A_72 : i32
      %ne3A_74 = arith.cmpi ne, %sign3A_66, %sign3A_73 : i32
      %rem3A_75 = arith.remsi %add3A_20, %jit3A_58 : i32
      %ne3A_76 = arith.constant 0 : i32
      %ne3A_77 = arith.cmpi ne, %rem3A_75, %ne3A_76 : i32
      %and3A_78 = arith.andi %ne3A_74, %ne3A_77 : i1
      %sub3A_79 = arith.constant 1 : i32
      %sub3A_80 = arith.subi %div3A_59, %sub3A_79 : i32
      %select_n3A_81 = arith.select %and3A_78, %sub3A_80, %div3A_59 : i32
      %jit3A_82 = arith.constant 4 : i32
      %eq3A_83 = arith.constant 0 : i32
      %eq3A_84 = arith.cmpi eq, %jit3A_82, %eq3A_83 : i32
      %jit3A_85 = arith.constant 1 : i32
      %select_n3A_86 = arith.select %eq3A_84, %jit3A_85, %jit3A_82 : i32
      %rem3A_87 = arith.remsi %add3A_20, %select_n3A_86 : i32
      %ne3A_88 = arith.constant 0 : i32
      %ne3A_89 = arith.cmpi ne, %rem3A_87, %ne3A_88 : i32
      %lt3A_90 = arith.constant 0 : i32
      %lt3A_91 = arith.cmpi slt, %rem3A_87, %lt3A_90 : i32
      %lt3A_92 = arith.constant 0 : i32
      %lt3A_93 = arith.cmpi slt, %select_n3A_86, %lt3A_92 : i32
      %ne3A_94 = arith.xori %lt3A_91, %lt3A_93 : i1
      %and3A_95 = arith.andi %ne3A_94, %ne3A_89 : i1
      %add3A_96 = arith.addi %rem3A_87, %select_n3A_86 : i32
      %select_n3A_97 = arith.select %and3A_95, %add3A_96, %rem3A_87 : i32
      %mul3A_98 = arith.constant 32 : i32
      %mul3A_99 = arith.muli %select_n3A_97, %mul3A_98 : i32
      %add3A_100 = arith.constant 16 : i32
      %add3A_101 = arith.addi %mul3A_99, %add3A_100 : i32
      %get3A_102 = arith.index_cast %select_n3A_81 : i32 to index
      %get3A_103 = arith.index_cast %add3A_101 : i32 to index
      %get3A_104 = tpu.vector_load %arg10[%get3A_102, %get3A_103] {strides = array<i32>} : memref<80x128xi32, #tpu.memory_space<vmem>>, vector<1x16xi32>,
      %get3A_105 = vector.shape_cast %get3A_104 : vector<1x16xi32> to vector<16xi32>
      %slice3A = vector.extract_strided_slice %get3A_57 {offsets = [0], sizes = [1], strides = [1]} : vector<16xi32> to vector<1xi32>
      %squeeze3A = vector.extract %slice3A[0] : i32 from vector<1xi32>
      %slice3A_106 = vector.extract_strided_slice %get3A_105 {offsets = [0], sizes = [1], strides = [1]} : vector<16xi32> to vector<1xi32>
      %squeeze3A_107 = vector.extract %slice3A_106[0] : i32 from vector<1xi32>
      %ge3A = arith.cmpi sge, %squeeze3A_107, %mul3A_0 : i32
      %lt3A_108 = arith.cmpi slt, %squeeze3A, %add3A_1 : i32
      %and3A_109 = arith.andi %ge3A, %lt3A_108 : i1
      %convert_element_type3A_110 = arith.extui %and3A_109 : i1 to i32
      %cond3A_111 = arith.constant 0 : i32
      %cond3A_112 = arith.cmpi ne, %convert_element_type3A_110, %cond3A_111 : i32
      scf.if %cond3A_112 {
        %mul3A_113 = arith.constant 8 : i32
        %mul3A_114 = arith.muli %add3A_20, %mul3A_113 : i32
        "tpu.region"() ({
          %run_scoped3A = tpu.sem_alloc : memref<!tpu.dma_semaphore, #tpu.memory_space<semaphore_mem>>
          %dma_start3A_1661 = arith.constant 0 : i32
          %dma_start3A_1662 = tpu.memref_slice %arg3[%mul3A_114, %dma_start3A_1661] : memref<2560x128xi32, #tpu.memory_space<hbm>> -> memref<8x128xi32, #tpu.memory_space<hbm>>
          %dma_start3A_1663 = arith.constant 0 : i32
          %dma_start3A_1664 = tpu.memref_slice %arg3[%mul3A_114, %dma_start3A_1663] : memref<2560x128xi32, #tpu.memory_space<hbm>> -> memref<8x128xi32, #tpu.memory_space<hbm>>
          tpu.enqueue_dma source(%dma_start3A_1664 : memref<8x128xi32, #tpu.memory_space<hbm>>) target(%arg7 : memref<8x128xi32, #tpu.memory_space<vmem>>) target_semaphore(%run_scoped3A : memref<!tpu.dma_semaphore, #tpu.memory_space<semaphore_mem>>)
          %dma_wait3A_1665 = arith.constant 0 : i32
          %dma_wait3A_1666 = tpu.memref_slice %arg3[%mul3A_114, %dma_wait3A_1665] : memref<2560x128xi32, #tpu.memory_space<hbm>> -> memref<8x128xi32, #tpu.memory_space<hbm>>
          %dma_wait3A_1667 = arith.constant 0 : i32
          %dma_wait3A_1668 = tpu.memref_slice %arg3[%mul3A_114, %dma_wait3A_1667] : memref<2560x128xi32, #tpu.memory_space<hbm>> -> memref<8x128xi32, #tpu.memory_space<hbm>>
          tpu.wait_dma2 semaphore(%run_scoped3A : memref<!tpu.dma_semaphore, #tpu.memory_space<semaphore_mem>>) src(%dma_wait3A_1668 : memref<8x128xi32, #tpu.memory_space<hbm>>) dst(%arg7 : memref<8x128xi32, #tpu.memory_space<vmem>>)
          tpu.yield
        }) : () -> ()
        %get3A_115 = arith.constant 0 : i32
        %get3A_116 = arith.index_cast %get3A_115 : i32 to index
        %get3A_117 = arith.constant 0 : index
        %get3A_118 = tpu.vector_load %arg7[%get3A_116, %get3A_117] {strides = array<i32>} : memref<8x128xi32, #tpu.memory_space<vmem>>, vector<1x16xi32>,
        %get3A_119 = vector.shape_cast %get3A_118 : vector<1x16xi32> to vector<16xi32>
        %ge3A_120 = vector.broadcast %mul3A_0 : i32 to vector<16xi32>
        %ge3A_121 = arith.cmpi sge, %get3A_119, %ge3A_120 : vector<16xi32>
        %lt3A_122 = vector.broadcast %add3A_1 : i32 to vector<16xi32>
        %lt3A_123 = arith.cmpi slt, %get3A_119, %lt3A_122 : vector<16xi32>
        %and3A_124 = arith.andi %ge3A_121, %lt3A_123 : vector<16xi1>
        %sub3A_125 = vector.broadcast %mul3A_0 : i32 to vector<16xi32>
        %sub3A_126 = arith.subi %get3A_119, %sub3A_125 : vector<16xi32>
        %jit3A_127 = arith.constant 5120 : i32
        %broadcast_in_dim3A = vector.broadcast %jit3A_127 : i32 to vector<16xi32>
        %select_n3A_128 = arith.select %and3A_124, %sub3A_126, %broadcast_in_dim3A : vector<16xi1>, vector<16xi32>
        %swap3A = arith.constant 0 : i32
        %swap3A_129 = arith.index_cast %swap3A : i32 to index
        %swap3A_130 = arith.constant 0 : index
        %swap3A_131 = tpu.vector_load %arg7[%swap3A_129, %swap3A_130] {strides = array<i32>} : memref<8x128xi32, #tpu.memory_space<vmem>>, vector<1x16xi32>,
        %swap3A_132 = vector.shape_cast %swap3A_131 : vector<1x16xi32> to vector<16xi32>
        %swap3A_133 = vector.shape_cast %select_n3A_128 : vector<16xi32> to vector<1x16xi32>
        tpu.vector_store %arg7[%swap3A_129, %swap3A_130], %swap3A_133 {strides = array<i32>} : memref<8x128xi32, #tpu.memory_space<vmem>>, vector<1x16xi32>,
        %get3A_134 = arith.constant 0 : i32
        %get3A_135 = arith.index_cast %get3A_134 : i32 to index
        %get3A_136 = arith.constant 16 : index
        %get3A_137 = tpu.vector_load %arg7[%get3A_135, %get3A_136] {strides = array<i32>} : memref<8x128xi32, #tpu.memory_space<vmem>>, vector<1x16xi32>,
        %get3A_138 = vector.shape_cast %get3A_137 : vector<1x16xi32> to vector<16xi32>
        %ge3A_139 = vector.broadcast %mul3A_0 : i32 to vector<16xi32>
        %ge3A_140 = arith.cmpi sge, %get3A_138, %ge3A_139 : vector<16xi32>
        %lt3A_141 = vector.broadcast %add3A_1 : i32 to vector<16xi32>
        %lt3A_142 = arith.cmpi slt, %get3A_138, %lt3A_141 : vector<16xi32>
        %and3A_143 = arith.andi %ge3A_140, %lt3A_142 : vector<16xi1>
        %sub3A_144 = vector.broadcast %mul3A_0 : i32 to vector<16xi32>
        %sub3A_145 = arith.subi %get3A_138, %sub3A_144 : vector<16xi32>
        %jit3A_146 = arith.constant 5120 : i32
        %broadcast_in_dim3A_147 = vector.broadcast %jit3A_146 : i32 to vector<16xi32>
        %select_n3A_148 = arith.select %and3A_143, %sub3A_145, %broadcast_in_dim3A_147 : vector<16xi1>, vector<16xi32>
        %swap3A_149 = arith.constant 0 : i32
        %swap3A_150 = arith.index_cast %swap3A_149 : i32 to index
        %swap3A_151 = arith.constant 16 : index
        %swap3A_152 = tpu.vector_load %arg7[%swap3A_150, %swap3A_151] {strides = array<i32>} : memref<8x128xi32, #tpu.memory_space<vmem>>, vector<1x16xi32>,
        %swap3A_153 = vector.shape_cast %swap3A_152 : vector<1x16xi32> to vector<16xi32>
        %swap3A_154 = vector.shape_cast %select_n3A_148 : vector<16xi32> to vector<1x16xi32>
        tpu.vector_store %arg7[%swap3A_150, %swap3A_151], %swap3A_154 {strides = array<i32>} : memref<8x128xi32, #tpu.memory_space<vmem>>, vector<1x16xi32>,
        %get3A_155 = arith.constant 0 : i32
        %get3A_156 = arith.index_cast %get3A_155 : i32 to index
        %get3A_157 = arith.constant 32 : index
        %get3A_158 = tpu.vector_load %arg7[%get3A_156, %get3A_157] {strides = array<i32>} : memref<8x128xi32, #tpu.memory_space<vmem>>, vector<1x16xi32>,
        %get3A_159 = vector.shape_cast %get3A_158 : vector<1x16xi32> to vector<16xi32>
        %ge3A_160 = vector.broadcast %mul3A_0 : i32 to vector<16xi32>
        %ge3A_161 = arith.cmpi sge, %get3A_159, %ge3A_160 : vector<16xi32>
        %lt3A_162 = vector.broadcast %add3A_1 : i32 to vector<16xi32>
        %lt3A_163 = arith.cmpi slt, %get3A_159, %lt3A_162 : vector<16xi32>
        %and3A_164 = arith.andi %ge3A_161, %lt3A_163 : vector<16xi1>
        %sub3A_165 = vector.broadcast %mul3A_0 : i32 to vector<16xi32>
        %sub3A_166 = arith.subi %get3A_159, %sub3A_165 : vector<16xi32>
        %jit3A_167 = arith.constant 5120 : i32
        %broadcast_in_dim3A_168 = vector.broadcast %jit3A_167 : i32 to vector<16xi32>
        %select_n3A_169 = arith.select %and3A_164, %sub3A_166, %broadcast_in_dim3A_168 : vector<16xi1>, vector<16xi32>
        %swap3A_170 = arith.constant 0 : i32
        %swap3A_171 = arith.index_cast %swap3A_170 : i32 to index
        %swap3A_172 = arith.constant 32 : index
        %swap3A_173 = tpu.vector_load %arg7[%swap3A_171, %swap3A_172] {strides = array<i32>} : memref<8x128xi32, #tpu.memory_space<vmem>>, vector<1x16xi32>,
        %swap3A_174 = vector.shape_cast %swap3A_173 : vector<1x16xi32> to vector<16xi32>
        %swap3A_175 = vector.shape_cast %select_n3A_169 : vector<16xi32> to vector<1x16xi32>
        tpu.vector_store %arg7[%swap3A_171, %swap3A_172], %swap3A_175 {strides = array<i32>} : memref<8x128xi32, #tpu.memory_space<vmem>>, vector<1x16xi32>,
        %get3A_176 = arith.constant 0 : i32
        %get3A_177 = arith.index_cast %get3A_176 : i32 to index
        %get3A_178 = arith.constant 48 : index
        %get3A_179 = tpu.vector_load %arg7[%get3A_177, %get3A_178] {strides = array<i32>} : memref<8x128xi32, #tpu.memory_space<vmem>>, vector<1x16xi32>,
        %get3A_180 = vector.shape_cast %get3A_179 : vector<1x16xi32> to vector<16xi32>
        %ge3A_181 = vector.broadcast %mul3A_0 : i32 to vector<16xi32>
        %ge3A_182 = arith.cmpi sge, %get3A_180, %ge3A_181 : vector<16xi32>
        %lt3A_183 = vector.broadcast %add3A_1 : i32 to vector<16xi32>
        %lt3A_184 = arith.cmpi slt, %get3A_180, %lt3A_183 : vector<16xi32>
        %and3A_185 = arith.andi %ge3A_182, %lt3A_184 : vector<16xi1>
        %sub3A_186 = vector.broadcast %mul3A_0 : i32 to vector<16xi32>
        %sub3A_187 = arith.subi %get3A_180, %sub3A_186 : vector<16xi32>
        %jit3A_188 = arith.constant 5120 : i32
        %broadcast_in_dim3A_189 = vector.broadcast %jit3A_188 : i32 to vector<16xi32>
        %select_n3A_190 = arith.select %and3A_185, %sub3A_187, %broadcast_in_dim3A_189 : vector<16xi1>, vector<16xi32>
        %swap3A_191 = arith.constant 0 : i32
        %swap3A_192 = arith.index_cast %swap3A_191 : i32 to index
        %swap3A_193 = arith.constant 48 : index
        %swap3A_194 = tpu.vector_load %arg7[%swap3A_192, %swap3A_193] {strides = array<i32>} : memref<8x128xi32, #tpu.memory_space<vmem>>, vector<1x16xi32>,
        %swap3A_195 = vector.shape_cast %swap3A_194 : vector<1x16xi32> to vector<16xi32>
        %swap3A_196 = vector.shape_cast %select_n3A_190 : vector<16xi32> to vector<1x16xi32>
        tpu.vector_store %arg7[%swap3A_192, %swap3A_193], %swap3A_196 {strides = array<i32>} : memref<8x128xi32, #tpu.memory_space<vmem>>, vector<1x16xi32>,
        %get3A_197 = arith.constant 0 : i32
        %get3A_198 = arith.index_cast %get3A_197 : i32 to index
        %get3A_199 = arith.constant 64 : index
        %get3A_200 = tpu.vector_load %arg7[%get3A_198, %get3A_199] {strides = array<i32>} : memref<8x128xi32, #tpu.memory_space<vmem>>, vector<1x16xi32>,
        %get3A_201 = vector.shape_cast %get3A_200 : vector<1x16xi32> to vector<16xi32>
        %ge3A_202 = vector.broadcast %mul3A_0 : i32 to vector<16xi32>
        %ge3A_203 = arith.cmpi sge, %get3A_201, %ge3A_202 : vector<16xi32>
        %lt3A_204 = vector.broadcast %add3A_1 : i32 to vector<16xi32>
        %lt3A_205 = arith.cmpi slt, %get3A_201, %lt3A_204 : vector<16xi32>
        %and3A_206 = arith.andi %ge3A_203, %lt3A_205 : vector<16xi1>
        %sub3A_207 = vector.broadcast %mul3A_0 : i32 to vector<16xi32>
        %sub3A_208 = arith.subi %get3A_201, %sub3A_207 : vector<16xi32>
        %jit3A_209 = arith.constant 5120 : i32
        %broadcast_in_dim3A_210 = vector.broadcast %jit3A_209 : i32 to vector<16xi32>
        %select_n3A_211 = arith.select %and3A_206, %sub3A_208, %broadcast_in_dim3A_210 : vector<16xi1>, vector<16xi32>
        %swap3A_212 = arith.constant 0 : i32
        %swap3A_213 = arith.index_cast %swap3A_212 : i32 to index
        %swap3A_214 = arith.constant 64 : index
        %swap3A_215 = tpu.vector_load %arg7[%swap3A_213, %swap3A_214] {strides = array<i32>} : memref<8x128xi32, #tpu.memory_space<vmem>>, vector<1x16xi32>,
        %swap3A_216 = vector.shape_cast %swap3A_215 : vector<1x16xi32> to vector<16xi32>
        %swap3A_217 = vector.shape_cast %select_n3A_211 : vector<16xi32> to vector<1x16xi32>
        tpu.vector_store %arg7[%swap3A_213, %swap3A_214], %swap3A_217 {strides = array<i32>} : memref<8x128xi32, #tpu.memory_space<vmem>>, vector<1x16xi32>,
        %get3A_218 = arith.constant 0 : i32
        %get3A_219 = arith.index_cast %get3A_218 : i32 to index
        %get3A_220 = arith.constant 80 : index
        %get3A_221 = tpu.vector_load %arg7[%get3A_219, %get3A_220] {strides = array<i32>} : memref<8x128xi32, #tpu.memory_space<vmem>>, vector<1x16xi32>,
        %get3A_222 = vector.shape_cast %get3A_221 : vector<1x16xi32> to vector<16xi32>
        %ge3A_223 = vector.broadcast %mul3A_0 : i32 to vector<16xi32>
        %ge3A_224 = arith.cmpi sge, %get3A_222, %ge3A_223 : vector<16xi32>
        %lt3A_225 = vector.broadcast %add3A_1 : i32 to vector<16xi32>
        %lt3A_226 = arith.cmpi slt, %get3A_222, %lt3A_225 : vector<16xi32>
        %and3A_227 = arith.andi %ge3A_224, %lt3A_226 : vector<16xi1>
        %sub3A_228 = vector.broadcast %mul3A_0 : i32 to vector<16xi32>
        %sub3A_229 = arith.subi %get3A_222, %sub3A_228 : vector<16xi32>
        %jit3A_230 = arith.constant 5120 : i32
        %broadcast_in_dim3A_231 = vector.broadcast %jit3A_230 : i32 to vector<16xi32>
        %select_n3A_232 = arith.select %and3A_227, %sub3A_229, %broadcast_in_dim3A_231 : vector<16xi1>, vector<16xi32>
        %swap3A_233 = arith.constant 0 : i32
        %swap3A_234 = arith.index_cast %swap3A_233 : i32 to index
        %swap3A_235 = arith.constant 80 : index
        %swap3A_236 = tpu.vector_load %arg7[%swap3A_234, %swap3A_235] {strides = array<i32>} : memref<8x128xi32, #tpu.memory_space<vmem>>, vector<1x16xi32>,
        %swap3A_237 = vector.shape_cast %swap3A_236 : vector<1x16xi32> to vector<16xi32>
        %swap3A_238 = vector.shape_cast %select_n3A_232 : vector<16xi32> to vector<1x16xi32>
        tpu.vector_store %arg7[%swap3A_234, %swap3A_235], %swap3A_238 {strides = array<i32>} : memref<8x128xi32, #tpu.memory_space<vmem>>, vector<1x16xi32>,
        %get3A_239 = arith.constant 0 : i32
        %get3A_240 = arith.index_cast %get3A_239 : i32 to index
        %get3A_241 = arith.constant 96 : index
        %get3A_242 = tpu.vector_load %arg7[%get3A_240, %get3A_241] {strides = array<i32>} : memref<8x128xi32, #tpu.memory_space<vmem>>, vector<1x16xi32>,
        %get3A_243 = vector.shape_cast %get3A_242 : vector<1x16xi32> to vector<16xi32>
        %ge3A_244 = vector.broadcast %mul3A_0 : i32 to vector<16xi32>
        %ge3A_245 = arith.cmpi sge, %get3A_243, %ge3A_244 : vector<16xi32>
        %lt3A_246 = vector.broadcast %add3A_1 : i32 to vector<16xi32>
        %lt3A_247 = arith.cmpi slt, %get3A_243, %lt3A_246 : vector<16xi32>
        %and3A_248 = arith.andi %ge3A_245, %lt3A_247 : vector<16xi1>
        %sub3A_249 = vector.broadcast %mul3A_0 : i32 to vector<16xi32>
        %sub3A_250 = arith.subi %get3A_243, %sub3A_249 : vector<16xi32>
        %jit3A_251 = arith.constant 5120 : i32
        %broadcast_in_dim3A_252 = vector.broadcast %jit3A_251 : i32 to vector<16xi32>
        %select_n3A_253 = arith.select %and3A_248, %sub3A_250, %broadcast_in_dim3A_252 : vector<16xi1>, vector<16xi32>
        %swap3A_254 = arith.constant 0 : i32
        %swap3A_255 = arith.index_cast %swap3A_254 : i32 to index
        %swap3A_256 = arith.constant 96 : index
        %swap3A_257 = tpu.vector_load %arg7[%swap3A_255, %swap3A_256] {strides = array<i32>} : memref<8x128xi32, #tpu.memory_space<vmem>>, vector<1x16xi32>,
        %swap3A_258 = vector.shape_cast %swap3A_257 : vector<1x16xi32> to vector<16xi32>
        %swap3A_259 = vector.shape_cast %select_n3A_253 : vector<16xi32> to vector<1x16xi32>
        tpu.vector_store %arg7[%swap3A_255, %swap3A_256], %swap3A_259 {strides = array<i32>} : memref<8x128xi32, #tpu.memory_space<vmem>>, vector<1x16xi32>,
        %get3A_260 = arith.constant 0 : i32
        %get3A_261 = arith.index_cast %get3A_260 : i32 to index
        %get3A_262 = arith.constant 112 : index
        %get3A_263 = tpu.vector_load %arg7[%get3A_261, %get3A_262] {strides = array<i32>} : memref<8x128xi32, #tpu.memory_space<vmem>>, vector<1x16xi32>,
        %get3A_264 = vector.shape_cast %get3A_263 : vector<1x16xi32> to vector<16xi32>
        %ge3A_265 = vector.broadcast %mul3A_0 : i32 to vector<16xi32>
        %ge3A_266 = arith.cmpi sge, %get3A_264, %ge3A_265 : vector<16xi32>
        %lt3A_267 = vector.broadcast %add3A_1 : i32 to vector<16xi32>
        %lt3A_268 = arith.cmpi slt, %get3A_264, %lt3A_267 : vector<16xi32>
        %and3A_269 = arith.andi %ge3A_266, %lt3A_268 : vector<16xi1>
        %sub3A_270 = vector.broadcast %mul3A_0 : i32 to vector<16xi32>
        %sub3A_271 = arith.subi %get3A_264, %sub3A_270 : vector<16xi32>
        %jit3A_272 = arith.constant 5120 : i32
        %broadcast_in_dim3A_273 = vector.broadcast %jit3A_272 : i32 to vector<16xi32>
        %select_n3A_274 = arith.select %and3A_269, %sub3A_271, %broadcast_in_dim3A_273 : vector<16xi1>, vector<16xi32>
        %swap3A_275 = arith.constant 0 : i32
        %swap3A_276 = arith.index_cast %swap3A_275 : i32 to index
        %swap3A_277 = arith.constant 112 : index
        %swap3A_278 = tpu.vector_load %arg7[%swap3A_276, %swap3A_277] {strides = array<i32>} : memref<8x128xi32, #tpu.memory_space<vmem>>, vector<1x16xi32>,
        %swap3A_279 = vector.shape_cast %swap3A_278 : vector<1x16xi32> to vector<16xi32>
        %swap3A_280 = vector.shape_cast %select_n3A_274 : vector<16xi32> to vector<1x16xi32>
        tpu.vector_store %arg7[%swap3A_276, %swap3A_277], %swap3A_280 {strides = array<i32>} : memref<8x128xi32, #tpu.memory_space<vmem>>, vector<1x16xi32>,
        %get3A_281 = arith.constant 1 : i32
        %get3A_282 = arith.index_cast %get3A_281 : i32 to index
        %get3A_283 = arith.constant 0 : index
        %get3A_284 = tpu.vector_load %arg7[%get3A_282, %get3A_283] {strides = array<i32>} : memref<8x128xi32, #tpu.memory_space<vmem>>, vector<1x16xi32>,
        %get3A_285 = vector.shape_cast %get3A_284 : vector<1x16xi32> to vector<16xi32>
        %ge3A_286 = vector.broadcast %mul3A_0 : i32 to vector<16xi32>
        %ge3A_287 = arith.cmpi sge, %get3A_285, %ge3A_286 : vector<16xi32>
        %lt3A_288 = vector.broadcast %add3A_1 : i32 to vector<16xi32>
        %lt3A_289 = arith.cmpi slt, %get3A_285, %lt3A_288 : vector<16xi32>
        %and3A_290 = arith.andi %ge3A_287, %lt3A_289 : vector<16xi1>
        %sub3A_291 = vector.broadcast %mul3A_0 : i32 to vector<16xi32>
        %sub3A_292 = arith.subi %get3A_285, %sub3A_291 : vector<16xi32>
        %jit3A_293 = arith.constant 5120 : i32
        %broadcast_in_dim3A_294 = vector.broadcast %jit3A_293 : i32 to vector<16xi32>
        %select_n3A_295 = arith.select %and3A_290, %sub3A_292, %broadcast_in_dim3A_294 : vector<16xi1>, vector<16xi32>
        %swap3A_296 = arith.constant 1 : i32
        %swap3A_297 = arith.index_cast %swap3A_296 : i32 to index
        %swap3A_298 = arith.constant 0 : index
        %swap3A_299 = tpu.vector_load %arg7[%swap3A_297, %swap3A_298] {strides = array<i32>} : memref<8x128xi32, #tpu.memory_space<vmem>>, vector<1x16xi32>,
        %swap3A_300 = vector.shape_cast %swap3A_299 : vector<1x16xi32> to vector<16xi32>
        %swap3A_301 = vector.shape_cast %select_n3A_295 : vector<16xi32> to vector<1x16xi32>
        tpu.vector_store %arg7[%swap3A_297, %swap3A_298], %swap3A_301 {strides = array<i32>} : memref<8x128xi32, #tpu.memory_space<vmem>>, vector<1x16xi32>,
        %get3A_302 = arith.constant 1 : i32
        %get3A_303 = arith.index_cast %get3A_302 : i32 to index
        %get3A_304 = arith.constant 16 : index
        %get3A_305 = tpu.vector_load %arg7[%get3A_303, %get3A_304] {strides = array<i32>} : memref<8x128xi32, #tpu.memory_space<vmem>>, vector<1x16xi32>,
        %get3A_306 = vector.shape_cast %get3A_305 : vector<1x16xi32> to vector<16xi32>
        %ge3A_307 = vector.broadcast %mul3A_0 : i32 to vector<16xi32>
        %ge3A_308 = arith.cmpi sge, %get3A_306, %ge3A_307 : vector<16xi32>
        %lt3A_309 = vector.broadcast %add3A_1 : i32 to vector<16xi32>
        %lt3A_310 = arith.cmpi slt, %get3A_306, %lt3A_309 : vector<16xi32>
        %and3A_311 = arith.andi %ge3A_308, %lt3A_310 : vector<16xi1>
        %sub3A_312 = vector.broadcast %mul3A_0 : i32 to vector<16xi32>
        %sub3A_313 = arith.subi %get3A_306, %sub3A_312 : vector<16xi32>
        %jit3A_314 = arith.constant 5120 : i32
        %broadcast_in_dim3A_315 = vector.broadcast %jit3A_314 : i32 to vector<16xi32>
        %select_n3A_316 = arith.select %and3A_311, %sub3A_313, %broadcast_in_dim3A_315 : vector<16xi1>, vector<16xi32>
        %swap3A_317 = arith.constant 1 : i32
        %swap3A_318 = arith.index_cast %swap3A_317 : i32 to index
        %swap3A_319 = arith.constant 16 : index
        %swap3A_320 = tpu.vector_load %arg7[%swap3A_318, %swap3A_319] {strides = array<i32>} : memref<8x128xi32, #tpu.memory_space<vmem>>, vector<1x16xi32>,
        %swap3A_321 = vector.shape_cast %swap3A_320 : vector<1x16xi32> to vector<16xi32>
        %swap3A_322 = vector.shape_cast %select_n3A_316 : vector<16xi32> to vector<1x16xi32>
        tpu.vector_store %arg7[%swap3A_318, %swap3A_319], %swap3A_322 {strides = array<i32>} : memref<8x128xi32, #tpu.memory_space<vmem>>, vector<1x16xi32>,
        %get3A_323 = arith.constant 1 : i32
        %get3A_324 = arith.index_cast %get3A_323 : i32 to index
        %get3A_325 = arith.constant 32 : index
        %get3A_326 = tpu.vector_load %arg7[%get3A_324, %get3A_325] {strides = array<i32>} : memref<8x128xi32, #tpu.memory_space<vmem>>, vector<1x16xi32>,
        %get3A_327 = vector.shape_cast %get3A_326 : vector<1x16xi32> to vector<16xi32>
        %ge3A_328 = vector.broadcast %mul3A_0 : i32 to vector<16xi32>
        %ge3A_329 = arith.cmpi sge, %get3A_327, %ge3A_328 : vector<16xi32>
        %lt3A_330 = vector.broadcast %add3A_1 : i32 to vector<16xi32>
        %lt3A_331 = arith.cmpi slt, %get3A_327, %lt3A_330 : vector<16xi32>
        %and3A_332 = arith.andi %ge3A_329, %lt3A_331 : vector<16xi1>
        %sub3A_333 = vector.broadcast %mul3A_0 : i32 to vector<16xi32>
        %sub3A_334 = arith.subi %get3A_327, %sub3A_333 : vector<16xi32>
        %jit3A_335 = arith.constant 5120 : i32
        %broadcast_in_dim3A_336 = vector.broadcast %jit3A_335 : i32 to vector<16xi32>
        %select_n3A_337 = arith.select %and3A_332, %sub3A_334, %broadcast_in_dim3A_336 : vector<16xi1>, vector<16xi32>
        %swap3A_338 = arith.constant 1 : i32
        %swap3A_339 = arith.index_cast %swap3A_338 : i32 to index
        %swap3A_340 = arith.constant 32 : index
        %swap3A_341 = tpu.vector_load %arg7[%swap3A_339, %swap3A_340] {strides = array<i32>} : memref<8x128xi32, #tpu.memory_space<vmem>>, vector<1x16xi32>,
        %swap3A_342 = vector.shape_cast %swap3A_341 : vector<1x16xi32> to vector<16xi32>
        %swap3A_343 = vector.shape_cast %select_n3A_337 : vector<16xi32> to vector<1x16xi32>
        tpu.vector_store %arg7[%swap3A_339, %swap3A_340], %swap3A_343 {strides = array<i32>} : memref<8x128xi32, #tpu.memory_space<vmem>>, vector<1x16xi32>,
        %get3A_344 = arith.constant 1 : i32
        %get3A_345 = arith.index_cast %get3A_344 : i32 to index
        %get3A_346 = arith.constant 48 : index
        %get3A_347 = tpu.vector_load %arg7[%get3A_345, %get3A_346] {strides = array<i32>} : memref<8x128xi32, #tpu.memory_space<vmem>>, vector<1x16xi32>,
        %get3A_348 = vector.shape_cast %get3A_347 : vector<1x16xi32> to vector<16xi32>
        %ge3A_349 = vector.broadcast %mul3A_0 : i32 to vector<16xi32>
        %ge3A_350 = arith.cmpi sge, %get3A_348, %ge3A_349 : vector<16xi32>
        %lt3A_351 = vector.broadcast %add3A_1 : i32 to vector<16xi32>
        %lt3A_352 = arith.cmpi slt, %get3A_348, %lt3A_351 : vector<16xi32>
        %and3A_353 = arith.andi %ge3A_350, %lt3A_352 : vector<16xi1>
        %sub3A_354 = vector.broadcast %mul3A_0 : i32 to vector<16xi32>
        %sub3A_355 = arith.subi %get3A_348, %sub3A_354 : vector<16xi32>
        %jit3A_356 = arith.constant 5120 : i32
        %broadcast_in_dim3A_357 = vector.broadcast %jit3A_356 : i32 to vector<16xi32>
        %select_n3A_358 = arith.select %and3A_353, %sub3A_355, %broadcast_in_dim3A_357 : vector<16xi1>, vector<16xi32>
        %swap3A_359 = arith.constant 1 : i32
        %swap3A_360 = arith.index_cast %swap3A_359 : i32 to index
        %swap3A_361 = arith.constant 48 : index
        %swap3A_362 = tpu.vector_load %arg7[%swap3A_360, %swap3A_361] {strides = array<i32>} : memref<8x128xi32, #tpu.memory_space<vmem>>, vector<1x16xi32>,
        %swap3A_363 = vector.shape_cast %swap3A_362 : vector<1x16xi32> to vector<16xi32>
        %swap3A_364 = vector.shape_cast %select_n3A_358 : vector<16xi32> to vector<1x16xi32>
        tpu.vector_store %arg7[%swap3A_360, %swap3A_361], %swap3A_364 {strides = array<i32>} : memref<8x128xi32, #tpu.memory_space<vmem>>, vector<1x16xi32>,
        %get3A_365 = arith.constant 1 : i32
        %get3A_366 = arith.index_cast %get3A_365 : i32 to index
        %get3A_367 = arith.constant 64 : index
        %get3A_368 = tpu.vector_load %arg7[%get3A_366, %get3A_367] {strides = array<i32>} : memref<8x128xi32, #tpu.memory_space<vmem>>, vector<1x16xi32>,
        %get3A_369 = vector.shape_cast %get3A_368 : vector<1x16xi32> to vector<16xi32>
        %ge3A_370 = vector.broadcast %mul3A_0 : i32 to vector<16xi32>
        %ge3A_371 = arith.cmpi sge, %get3A_369, %ge3A_370 : vector<16xi32>
        %lt3A_372 = vector.broadcast %add3A_1 : i32 to vector<16xi32>
        %lt3A_373 = arith.cmpi slt, %get3A_369, %lt3A_372 : vector<16xi32>
        %and3A_374 = arith.andi %ge3A_371, %lt3A_373 : vector<16xi1>
        %sub3A_375 = vector.broadcast %mul3A_0 : i32 to vector<16xi32>
        %sub3A_376 = arith.subi %get3A_369, %sub3A_375 : vector<16xi32>
        %jit3A_377 = arith.constant 5120 : i32
        %broadcast_in_dim3A_378 = vector.broadcast %jit3A_377 : i32 to vector<16xi32>
        %select_n3A_379 = arith.select %and3A_374, %sub3A_376, %broadcast_in_dim3A_378 : vector<16xi1>, vector<16xi32>
        %swap3A_380 = arith.constant 1 : i32
        %swap3A_381 = arith.index_cast %swap3A_380 : i32 to index
        %swap3A_382 = arith.constant 64 : index
        %swap3A_383 = tpu.vector_load %arg7[%swap3A_381, %swap3A_382] {strides = array<i32>} : memref<8x128xi32, #tpu.memory_space<vmem>>, vector<1x16xi32>,
        %swap3A_384 = vector.shape_cast %swap3A_383 : vector<1x16xi32> to vector<16xi32>
        %swap3A_385 = vector.shape_cast %select_n3A_379 : vector<16xi32> to vector<1x16xi32>
        tpu.vector_store %arg7[%swap3A_381, %swap3A_382], %swap3A_385 {strides = array<i32>} : memref<8x128xi32, #tpu.memory_space<vmem>>, vector<1x16xi32>,
        %get3A_386 = arith.constant 1 : i32
        %get3A_387 = arith.index_cast %get3A_386 : i32 to index
        %get3A_388 = arith.constant 80 : index
        %get3A_389 = tpu.vector_load %arg7[%get3A_387, %get3A_388] {strides = array<i32>} : memref<8x128xi32, #tpu.memory_space<vmem>>, vector<1x16xi32>,
        %get3A_390 = vector.shape_cast %get3A_389 : vector<1x16xi32> to vector<16xi32>
        %ge3A_391 = vector.broadcast %mul3A_0 : i32 to vector<16xi32>
        %ge3A_392 = arith.cmpi sge, %get3A_390, %ge3A_391 : vector<16xi32>
        %lt3A_393 = vector.broadcast %add3A_1 : i32 to vector<16xi32>
        %lt3A_394 = arith.cmpi slt, %get3A_390, %lt3A_393 : vector<16xi32>
        %and3A_395 = arith.andi %ge3A_392, %lt3A_394 : vector<16xi1>
        %sub3A_396 = vector.broadcast %mul3A_0 : i32 to vector<16xi32>
        %sub3A_397 = arith.subi %get3A_390, %sub3A_396 : vector<16xi32>
        %jit3A_398 = arith.constant 5120 : i32
        %broadcast_in_dim3A_399 = vector.broadcast %jit3A_398 : i32 to vector<16xi32>
        %select_n3A_400 = arith.select %and3A_395, %sub3A_397, %broadcast_in_dim3A_399 : vector<16xi1>, vector<16xi32>
        %swap3A_401 = arith.constant 1 : i32
        %swap3A_402 = arith.index_cast %swap3A_401 : i32 to index
        %swap3A_403 = arith.constant 80 : index
        %swap3A_404 = tpu.vector_load %arg7[%swap3A_402, %swap3A_403] {strides = array<i32>} : memref<8x128xi32, #tpu.memory_space<vmem>>, vector<1x16xi32>,
        %swap3A_405 = vector.shape_cast %swap3A_404 : vector<1x16xi32> to vector<16xi32>
        %swap3A_406 = vector.shape_cast %select_n3A_400 : vector<16xi32> to vector<1x16xi32>
        tpu.vector_store %arg7[%swap3A_402, %swap3A_403], %swap3A_406 {strides = array<i32>} : memref<8x128xi32, #tpu.memory_space<vmem>>, vector<1x16xi32>,
        %get3A_407 = arith.constant 1 : i32
        %get3A_408 = arith.index_cast %get3A_407 : i32 to index
        %get3A_409 = arith.constant 96 : index
        %get3A_410 = tpu.vector_load %arg7[%get3A_408, %get3A_409] {strides = array<i32>} : memref<8x128xi32, #tpu.memory_space<vmem>>, vector<1x16xi32>,
        %get3A_411 = vector.shape_cast %get3A_410 : vector<1x16xi32> to vector<16xi32>
        %ge3A_412 = vector.broadcast %mul3A_0 : i32 to vector<16xi32>
        %ge3A_413 = arith.cmpi sge, %get3A_411, %ge3A_412 : vector<16xi32>
        %lt3A_414 = vector.broadcast %add3A_1 : i32 to vector<16xi32>
        %lt3A_415 = arith.cmpi slt, %get3A_411, %lt3A_414 : vector<16xi32>
        %and3A_416 = arith.andi %ge3A_413, %lt3A_415 : vector<16xi1>
        %sub3A_417 = vector.broadcast %mul3A_0 : i32 to vector<16xi32>
        %sub3A_418 = arith.subi %get3A_411, %sub3A_417 : vector<16xi32>
        %jit3A_419 = arith.constant 5120 : i32
        %broadcast_in_dim3A_420 = vector.broadcast %jit3A_419 : i32 to vector<16xi32>
        %select_n3A_421 = arith.select %and3A_416, %sub3A_418, %broadcast_in_dim3A_420 : vector<16xi1>, vector<16xi32>
        %swap3A_422 = arith.constant 1 : i32
        %swap3A_423 = arith.index_cast %swap3A_422 : i32 to index
        %swap3A_424 = arith.constant 96 : index
        %swap3A_425 = tpu.vector_load %arg7[%swap3A_423, %swap3A_424] {strides = array<i32>} : memref<8x128xi32, #tpu.memory_space<vmem>>, vector<1x16xi32>,
        %swap3A_426 = vector.shape_cast %swap3A_425 : vector<1x16xi32> to vector<16xi32>
        %swap3A_427 = vector.shape_cast %select_n3A_421 : vector<16xi32> to vector<1x16xi32>
        tpu.vector_store %arg7[%swap3A_423, %swap3A_424], %swap3A_427 {strides = array<i32>} : memref<8x128xi32, #tpu.memory_space<vmem>>, vector<1x16xi32>,
        %get3A_428 = arith.constant 1 : i32
        %get3A_429 = arith.index_cast %get3A_428 : i32 to index
        %get3A_430 = arith.constant 112 : index
        %get3A_431 = tpu.vector_load %arg7[%get3A_429, %get3A_430] {strides = array<i32>} : memref<8x128xi32, #tpu.memory_space<vmem>>, vector<1x16xi32>,
        %get3A_432 = vector.shape_cast %get3A_431 : vector<1x16xi32> to vector<16xi32>
        %ge3A_433 = vector.broadcast %mul3A_0 : i32 to vector<16xi32>
        %ge3A_434 = arith.cmpi sge, %get3A_432, %ge3A_433 : vector<16xi32>
        %lt3A_435 = vector.broadcast %add3A_1 : i32 to vector<16xi32>
        %lt3A_436 = arith.cmpi slt, %get3A_432, %lt3A_435 : vector<16xi32>
        %and3A_437 = arith.andi %ge3A_434, %lt3A_436 : vector<16xi1>
        %sub3A_438 = vector.broadcast %mul3A_0 : i32 to vector<16xi32>
        %sub3A_439 = arith.subi %get3A_432, %sub3A_438 : vector<16xi32>
        %jit3A_440 = arith.constant 5120 : i32
        %broadcast_in_dim3A_441 = vector.broadcast %jit3A_440 : i32 to vector<16xi32>
        %select_n3A_442 = arith.select %and3A_437, %sub3A_439, %broadcast_in_dim3A_441 : vector<16xi1>, vector<16xi32>
        %swap3A_443 = arith.constant 1 : i32
        %swap3A_444 = arith.index_cast %swap3A_443 : i32 to index
        %swap3A_445 = arith.constant 112 : index
        %swap3A_446 = tpu.vector_load %arg7[%swap3A_444, %swap3A_445] {strides = array<i32>} : memref<8x128xi32, #tpu.memory_space<vmem>>, vector<1x16xi32>,
        %swap3A_447 = vector.shape_cast %swap3A_446 : vector<1x16xi32> to vector<16xi32>
        %swap3A_448 = vector.shape_cast %select_n3A_442 : vector<16xi32> to vector<1x16xi32>
        tpu.vector_store %arg7[%swap3A_444, %swap3A_445], %swap3A_448 {strides = array<i32>} : memref<8x128xi32, #tpu.memory_space<vmem>>, vector<1x16xi32>,
        %get3A_449 = arith.constant 2 : i32
        %get3A_450 = arith.index_cast %get3A_449 : i32 to index
        %get3A_451 = arith.constant 0 : index
        %get3A_452 = tpu.vector_load %arg7[%get3A_450, %get3A_451] {strides = array<i32>} : memref<8x128xi32, #tpu.memory_space<vmem>>, vector<1x16xi32>,
        %get3A_453 = vector.shape_cast %get3A_452 : vector<1x16xi32> to vector<16xi32>
        %ge3A_454 = vector.broadcast %mul3A_0 : i32 to vector<16xi32>
        %ge3A_455 = arith.cmpi sge, %get3A_453, %ge3A_454 : vector<16xi32>
        %lt3A_456 = vector.broadcast %add3A_1 : i32 to vector<16xi32>
        %lt3A_457 = arith.cmpi slt, %get3A_453, %lt3A_456 : vector<16xi32>
        %and3A_458 = arith.andi %ge3A_455, %lt3A_457 : vector<16xi1>
        %sub3A_459 = vector.broadcast %mul3A_0 : i32 to vector<16xi32>
        %sub3A_460 = arith.subi %get3A_453, %sub3A_459 : vector<16xi32>
        %jit3A_461 = arith.constant 5120 : i32
        %broadcast_in_dim3A_462 = vector.broadcast %jit3A_461 : i32 to vector<16xi32>
        %select_n3A_463 = arith.select %and3A_458, %sub3A_460, %broadcast_in_dim3A_462 : vector<16xi1>, vector<16xi32>
        %swap3A_464 = arith.constant 2 : i32
        %swap3A_465 = arith.index_cast %swap3A_464 : i32 to index
        %swap3A_466 = arith.constant 0 : index
        %swap3A_467 = tpu.vector_load %arg7[%swap3A_465, %swap3A_466] {strides = array<i32>} : memref<8x128xi32, #tpu.memory_space<vmem>>, vector<1x16xi32>,
        %swap3A_468 = vector.shape_cast %swap3A_467 : vector<1x16xi32> to vector<16xi32>
        %swap3A_469 = vector.shape_cast %select_n3A_463 : vector<16xi32> to vector<1x16xi32>
        tpu.vector_store %arg7[%swap3A_465, %swap3A_466], %swap3A_469 {strides = array<i32>} : memref<8x128xi32, #tpu.memory_space<vmem>>, vector<1x16xi32>,
        %get3A_470 = arith.constant 2 : i32
        %get3A_471 = arith.index_cast %get3A_470 : i32 to index
        %get3A_472 = arith.constant 16 : index
        %get3A_473 = tpu.vector_load %arg7[%get3A_471, %get3A_472] {strides = array<i32>} : memref<8x128xi32, #tpu.memory_space<vmem>>, vector<1x16xi32>,
        %get3A_474 = vector.shape_cast %get3A_473 : vector<1x16xi32> to vector<16xi32>
        %ge3A_475 = vector.broadcast %mul3A_0 : i32 to vector<16xi32>
        %ge3A_476 = arith.cmpi sge, %get3A_474, %ge3A_475 : vector<16xi32>
        %lt3A_477 = vector.broadcast %add3A_1 : i32 to vector<16xi32>
        %lt3A_478 = arith.cmpi slt, %get3A_474, %lt3A_477 : vector<16xi32>
        %and3A_479 = arith.andi %ge3A_476, %lt3A_478 : vector<16xi1>
        %sub3A_480 = vector.broadcast %mul3A_0 : i32 to vector<16xi32>
        %sub3A_481 = arith.subi %get3A_474, %sub3A_480 : vector<16xi32>
        %jit3A_482 = arith.constant 5120 : i32
        %broadcast_in_dim3A_483 = vector.broadcast %jit3A_482 : i32 to vector<16xi32>
        %select_n3A_484 = arith.select %and3A_479, %sub3A_481, %broadcast_in_dim3A_483 : vector<16xi1>, vector<16xi32>
        %swap3A_485 = arith.constant 2 : i32
        %swap3A_486 = arith.index_cast %swap3A_485 : i32 to index
        %swap3A_487 = arith.constant 16 : index
        %swap3A_488 = tpu.vector_load %arg7[%swap3A_486, %swap3A_487] {strides = array<i32>} : memref<8x128xi32, #tpu.memory_space<vmem>>, vector<1x16xi32>,
        %swap3A_489 = vector.shape_cast %swap3A_488 : vector<1x16xi32> to vector<16xi32>
        %swap3A_490 = vector.shape_cast %select_n3A_484 : vector<16xi32> to vector<1x16xi32>
        tpu.vector_store %arg7[%swap3A_486, %swap3A_487], %swap3A_490 {strides = array<i32>} : memref<8x128xi32, #tpu.memory_space<vmem>>, vector<1x16xi32>,
        %get3A_491 = arith.constant 2 : i32
        %get3A_492 = arith.index_cast %get3A_491 : i32 to index
        %get3A_493 = arith.constant 32 : index
        %get3A_494 = tpu.vector_load %arg7[%get3A_492, %get3A_493] {strides = array<i32>} : memref<8x128xi32, #tpu.memory_space<vmem>>, vector<1x16xi32>,
        %get3A_495 = vector.shape_cast %get3A_494 : vector<1x16xi32> to vector<16xi32>
        %ge3A_496 = vector.broadcast %mul3A_0 : i32 to vector<16xi32>
        %ge3A_497 = arith.cmpi sge, %get3A_495, %ge3A_496 : vector<16xi32>
        %lt3A_498 = vector.broadcast %add3A_1 : i32 to vector<16xi32>
        %lt3A_499 = arith.cmpi slt, %get3A_495, %lt3A_498 : vector<16xi32>
        %and3A_500 = arith.andi %ge3A_497, %lt3A_499 : vector<16xi1>
        %sub3A_501 = vector.broadcast %mul3A_0 : i32 to vector<16xi32>
        %sub3A_502 = arith.subi %get3A_495, %sub3A_501 : vector<16xi32>
        %jit3A_503 = arith.constant 5120 : i32
        %broadcast_in_dim3A_504 = vector.broadcast %jit3A_503 : i32 to vector<16xi32>
        %select_n3A_505 = arith.select %and3A_500, %sub3A_502, %broadcast_in_dim3A_504 : vector<16xi1>, vector<16xi32>
        %swap3A_506 = arith.constant 2 : i32
        %swap3A_507 = arith.index_cast %swap3A_506 : i32 to index
        %swap3A_508 = arith.constant 32 : index
        %swap3A_509 = tpu.vector_load %arg7[%swap3A_507, %swap3A_508] {strides = array<i32>} : memref<8x128xi32, #tpu.memory_space<vmem>>, vector<1x16xi32>,
        %swap3A_510 = vector.shape_cast %swap3A_509 : vector<1x16xi32> to vector<16xi32>
        %swap3A_511 = vector.shape_cast %select_n3A_505 : vector<16xi32> to vector<1x16xi32>
        tpu.vector_store %arg7[%swap3A_507, %swap3A_508], %swap3A_511 {strides = array<i32>} : memref<8x128xi32, #tpu.memory_space<vmem>>, vector<1x16xi32>,
        %get3A_512 = arith.constant 2 : i32
        %get3A_513 = arith.index_cast %get3A_512 : i32 to index
        %get3A_514 = arith.constant 48 : index
        %get3A_515 = tpu.vector_load %arg7[%get3A_513, %get3A_514] {strides = array<i32>} : memref<8x128xi32, #tpu.memory_space<vmem>>, vector<1x16xi32>,
        %get3A_516 = vector.shape_cast %get3A_515 : vector<1x16xi32> to vector<16xi32>
        %ge3A_517 = vector.broadcast %mul3A_0 : i32 to vector<16xi32>
        %ge3A_518 = arith.cmpi sge, %get3A_516, %ge3A_517 : vector<16xi32>
        %lt3A_519 = vector.broadcast %add3A_1 : i32 to vector<16xi32>
        %lt3A_520 = arith.cmpi slt, %get3A_516, %lt3A_519 : vector<16xi32>
        %and3A_521 = arith.andi %ge3A_518, %lt3A_520 : vector<16xi1>
        %sub3A_522 = vector.broadcast %mul3A_0 : i32 to vector<16xi32>
        %sub3A_523 = arith.subi %get3A_516, %sub3A_522 : vector<16xi32>
        %jit3A_524 = arith.constant 5120 : i32
        %broadcast_in_dim3A_525 = vector.broadcast %jit3A_524 : i32 to vector<16xi32>
        %select_n3A_526 = arith.select %and3A_521, %sub3A_523, %broadcast_in_dim3A_525 : vector<16xi1>, vector<16xi32>
        %swap3A_527 = arith.constant 2 : i32
        %swap3A_528 = arith.index_cast %swap3A_527 : i32 to index
        %swap3A_529 = arith.constant 48 : index
        %swap3A_530 = tpu.vector_load %arg7[%swap3A_528, %swap3A_529] {strides = array<i32>} : memref<8x128xi32, #tpu.memory_space<vmem>>, vector<1x16xi32>,
        %swap3A_531 = vector.shape_cast %swap3A_530 : vector<1x16xi32> to vector<16xi32>
        %swap3A_532 = vector.shape_cast %select_n3A_526 : vector<16xi32> to vector<1x16xi32>
        tpu.vector_store %arg7[%swap3A_528, %swap3A_529], %swap3A_532 {strides = array<i32>} : memref<8x128xi32, #tpu.memory_space<vmem>>, vector<1x16xi32>,
        %get3A_533 = arith.constant 2 : i32
        %get3A_534 = arith.index_cast %get3A_533 : i32 to index
        %get3A_535 = arith.constant 64 : index
        %get3A_536 = tpu.vector_load %arg7[%get3A_534, %get3A_535] {strides = array<i32>} : memref<8x128xi32, #tpu.memory_space<vmem>>, vector<1x16xi32>,
        %get3A_537 = vector.shape_cast %get3A_536 : vector<1x16xi32> to vector<16xi32>
        %ge3A_538 = vector.broadcast %mul3A_0 : i32 to vector<16xi32>
        %ge3A_539 = arith.cmpi sge, %get3A_537, %ge3A_538 : vector<16xi32>
        %lt3A_540 = vector.broadcast %add3A_1 : i32 to vector<16xi32>
        %lt3A_541 = arith.cmpi slt, %get3A_537, %lt3A_540 : vector<16xi32>
        %and3A_542 = arith.andi %ge3A_539, %lt3A_541 : vector<16xi1>
        %sub3A_543 = vector.broadcast %mul3A_0 : i32 to vector<16xi32>
        %sub3A_544 = arith.subi %get3A_537, %sub3A_543 : vector<16xi32>
        %jit3A_545 = arith.constant 5120 : i32
        %broadcast_in_dim3A_546 = vector.broadcast %jit3A_545 : i32 to vector<16xi32>
        %select_n3A_547 = arith.select %and3A_542, %sub3A_544, %broadcast_in_dim3A_546 : vector<16xi1>, vector<16xi32>
        %swap3A_548 = arith.constant 2 : i32
        %swap3A_549 = arith.index_cast %swap3A_548 : i32 to index
        %swap3A_550 = arith.constant 64 : index
        %swap3A_551 = tpu.vector_load %arg7[%swap3A_549, %swap3A_550] {strides = array<i32>} : memref<8x128xi32, #tpu.memory_space<vmem>>, vector<1x16xi32>,
        %swap3A_552 = vector.shape_cast %swap3A_551 : vector<1x16xi32> to vector<16xi32>
        %swap3A_553 = vector.shape_cast %select_n3A_547 : vector<16xi32> to vector<1x16xi32>
        tpu.vector_store %arg7[%swap3A_549, %swap3A_550], %swap3A_553 {strides = array<i32>} : memref<8x128xi32, #tpu.memory_space<vmem>>, vector<1x16xi32>,
        %get3A_554 = arith.constant 2 : i32
        %get3A_555 = arith.index_cast %get3A_554 : i32 to index
        %get3A_556 = arith.constant 80 : index
        %get3A_557 = tpu.vector_load %arg7[%get3A_555, %get3A_556] {strides = array<i32>} : memref<8x128xi32, #tpu.memory_space<vmem>>, vector<1x16xi32>,
        %get3A_558 = vector.shape_cast %get3A_557 : vector<1x16xi32> to vector<16xi32>
        %ge3A_559 = vector.broadcast %mul3A_0 : i32 to vector<16xi32>
        %ge3A_560 = arith.cmpi sge, %get3A_558, %ge3A_559 : vector<16xi32>
        %lt3A_561 = vector.broadcast %add3A_1 : i32 to vector<16xi32>
        %lt3A_562 = arith.cmpi slt, %get3A_558, %lt3A_561 : vector<16xi32>
        %and3A_563 = arith.andi %ge3A_560, %lt3A_562 : vector<16xi1>
        %sub3A_564 = vector.broadcast %mul3A_0 : i32 to vector<16xi32>
        %sub3A_565 = arith.subi %get3A_558, %sub3A_564 : vector<16xi32>
        %jit3A_566 = arith.constant 5120 : i32
        %broadcast_in_dim3A_567 = vector.broadcast %jit3A_566 : i32 to vector<16xi32>
        %select_n3A_568 = arith.select %and3A_563, %sub3A_565, %broadcast_in_dim3A_567 : vector<16xi1>, vector<16xi32>
        %swap3A_569 = arith.constant 2 : i32
        %swap3A_570 = arith.index_cast %swap3A_569 : i32 to index
        %swap3A_571 = arith.constant 80 : index
        %swap3A_572 = tpu.vector_load %arg7[%swap3A_570, %swap3A_571] {strides = array<i32>} : memref<8x128xi32, #tpu.memory_space<vmem>>, vector<1x16xi32>,
        %swap3A_573 = vector.shape_cast %swap3A_572 : vector<1x16xi32> to vector<16xi32>
        %swap3A_574 = vector.shape_cast %select_n3A_568 : vector<16xi32> to vector<1x16xi32>
        tpu.vector_store %arg7[%swap3A_570, %swap3A_571], %swap3A_574 {strides = array<i32>} : memref<8x128xi32, #tpu.memory_space<vmem>>, vector<1x16xi32>,
        %get3A_575 = arith.constant 2 : i32
        %get3A_576 = arith.index_cast %get3A_575 : i32 to index
        %get3A_577 = arith.constant 96 : index
        %get3A_578 = tpu.vector_load %arg7[%get3A_576, %get3A_577] {strides = array<i32>} : memref<8x128xi32, #tpu.memory_space<vmem>>, vector<1x16xi32>,
        %get3A_579 = vector.shape_cast %get3A_578 : vector<1x16xi32> to vector<16xi32>
        %ge3A_580 = vector.broadcast %mul3A_0 : i32 to vector<16xi32>
        %ge3A_581 = arith.cmpi sge, %get3A_579, %ge3A_580 : vector<16xi32>
        %lt3A_582 = vector.broadcast %add3A_1 : i32 to vector<16xi32>
        %lt3A_583 = arith.cmpi slt, %get3A_579, %lt3A_582 : vector<16xi32>
        %and3A_584 = arith.andi %ge3A_581, %lt3A_583 : vector<16xi1>
        %sub3A_585 = vector.broadcast %mul3A_0 : i32 to vector<16xi32>
        %sub3A_586 = arith.subi %get3A_579, %sub3A_585 : vector<16xi32>
        %jit3A_587 = arith.constant 5120 : i32
        %broadcast_in_dim3A_588 = vector.broadcast %jit3A_587 : i32 to vector<16xi32>
        %select_n3A_589 = arith.select %and3A_584, %sub3A_586, %broadcast_in_dim3A_588 : vector<16xi1>, vector<16xi32>
        %swap3A_590 = arith.constant 2 : i32
        %swap3A_591 = arith.index_cast %swap3A_590 : i32 to index
        %swap3A_592 = arith.constant 96 : index
        %swap3A_593 = tpu.vector_load %arg7[%swap3A_591, %swap3A_592] {strides = array<i32>} : memref<8x128xi32, #tpu.memory_space<vmem>>, vector<1x16xi32>,
        %swap3A_594 = vector.shape_cast %swap3A_593 : vector<1x16xi32> to vector<16xi32>
        %swap3A_595 = vector.shape_cast %select_n3A_589 : vector<16xi32> to vector<1x16xi32>
        tpu.vector_store %arg7[%swap3A_591, %swap3A_592], %swap3A_595 {strides = array<i32>} : memref<8x128xi32, #tpu.memory_space<vmem>>, vector<1x16xi32>,
        %get3A_596 = arith.constant 2 : i32
        %get3A_597 = arith.index_cast %get3A_596 : i32 to index
        %get3A_598 = arith.constant 112 : index
        %get3A_599 = tpu.vector_load %arg7[%get3A_597, %get3A_598] {strides = array<i32>} : memref<8x128xi32, #tpu.memory_space<vmem>>, vector<1x16xi32>,
        %get3A_600 = vector.shape_cast %get3A_599 : vector<1x16xi32> to vector<16xi32>
        %ge3A_601 = vector.broadcast %mul3A_0 : i32 to vector<16xi32>
        %ge3A_602 = arith.cmpi sge, %get3A_600, %ge3A_601 : vector<16xi32>
        %lt3A_603 = vector.broadcast %add3A_1 : i32 to vector<16xi32>
        %lt3A_604 = arith.cmpi slt, %get3A_600, %lt3A_603 : vector<16xi32>
        %and3A_605 = arith.andi %ge3A_602, %lt3A_604 : vector<16xi1>
        %sub3A_606 = vector.broadcast %mul3A_0 : i32 to vector<16xi32>
        %sub3A_607 = arith.subi %get3A_600, %sub3A_606 : vector<16xi32>
        %jit3A_608 = arith.constant 5120 : i32
        %broadcast_in_dim3A_609 = vector.broadcast %jit3A_608 : i32 to vector<16xi32>
        %select_n3A_610 = arith.select %and3A_605, %sub3A_607, %broadcast_in_dim3A_609 : vector<16xi1>, vector<16xi32>
        %swap3A_611 = arith.constant 2 : i32
        %swap3A_612 = arith.index_cast %swap3A_611 : i32 to index
        %swap3A_613 = arith.constant 112 : index
        %swap3A_614 = tpu.vector_load %arg7[%swap3A_612, %swap3A_613] {strides = array<i32>} : memref<8x128xi32, #tpu.memory_space<vmem>>, vector<1x16xi32>,
        %swap3A_615 = vector.shape_cast %swap3A_614 : vector<1x16xi32> to vector<16xi32>
        %swap3A_616 = vector.shape_cast %select_n3A_610 : vector<16xi32> to vector<1x16xi32>
        tpu.vector_store %arg7[%swap3A_612, %swap3A_613], %swap3A_616 {strides = array<i32>} : memref<8x128xi32, #tpu.memory_space<vmem>>, vector<1x16xi32>,
        %get3A_617 = arith.constant 3 : i32
        %get3A_618 = arith.index_cast %get3A_617 : i32 to index
        %get3A_619 = arith.constant 0 : index
        %get3A_620 = tpu.vector_load %arg7[%get3A_618, %get3A_619] {strides = array<i32>} : memref<8x128xi32, #tpu.memory_space<vmem>>, vector<1x16xi32>,
        %get3A_621 = vector.shape_cast %get3A_620 : vector<1x16xi32> to vector<16xi32>
        %ge3A_622 = vector.broadcast %mul3A_0 : i32 to vector<16xi32>
        %ge3A_623 = arith.cmpi sge, %get3A_621, %ge3A_622 : vector<16xi32>
        %lt3A_624 = vector.broadcast %add3A_1 : i32 to vector<16xi32>
        %lt3A_625 = arith.cmpi slt, %get3A_621, %lt3A_624 : vector<16xi32>
        %and3A_626 = arith.andi %ge3A_623, %lt3A_625 : vector<16xi1>
        %sub3A_627 = vector.broadcast %mul3A_0 : i32 to vector<16xi32>
        %sub3A_628 = arith.subi %get3A_621, %sub3A_627 : vector<16xi32>
        %jit3A_629 = arith.constant 5120 : i32
        %broadcast_in_dim3A_630 = vector.broadcast %jit3A_629 : i32 to vector<16xi32>
        %select_n3A_631 = arith.select %and3A_626, %sub3A_628, %broadcast_in_dim3A_630 : vector<16xi1>, vector<16xi32>
        %swap3A_632 = arith.constant 3 : i32
        %swap3A_633 = arith.index_cast %swap3A_632 : i32 to index
        %swap3A_634 = arith.constant 0 : index
        %swap3A_635 = tpu.vector_load %arg7[%swap3A_633, %swap3A_634] {strides = array<i32>} : memref<8x128xi32, #tpu.memory_space<vmem>>, vector<1x16xi32>,
        %swap3A_636 = vector.shape_cast %swap3A_635 : vector<1x16xi32> to vector<16xi32>
        %swap3A_637 = vector.shape_cast %select_n3A_631 : vector<16xi32> to vector<1x16xi32>
        tpu.vector_store %arg7[%swap3A_633, %swap3A_634], %swap3A_637 {strides = array<i32>} : memref<8x128xi32, #tpu.memory_space<vmem>>, vector<1x16xi32>,
        %get3A_638 = arith.constant 3 : i32
        %get3A_639 = arith.index_cast %get3A_638 : i32 to index
        %get3A_640 = arith.constant 16 : index
        %get3A_641 = tpu.vector_load %arg7[%get3A_639, %get3A_640] {strides = array<i32>} : memref<8x128xi32, #tpu.memory_space<vmem>>, vector<1x16xi32>,
        %get3A_642 = vector.shape_cast %get3A_641 : vector<1x16xi32> to vector<16xi32>
        %ge3A_643 = vector.broadcast %mul3A_0 : i32 to vector<16xi32>
        %ge3A_644 = arith.cmpi sge, %get3A_642, %ge3A_643 : vector<16xi32>
        %lt3A_645 = vector.broadcast %add3A_1 : i32 to vector<16xi32>
        %lt3A_646 = arith.cmpi slt, %get3A_642, %lt3A_645 : vector<16xi32>
        %and3A_647 = arith.andi %ge3A_644, %lt3A_646 : vector<16xi1>
        %sub3A_648 = vector.broadcast %mul3A_0 : i32 to vector<16xi32>
        %sub3A_649 = arith.subi %get3A_642, %sub3A_648 : vector<16xi32>
        %jit3A_650 = arith.constant 5120 : i32
        %broadcast_in_dim3A_651 = vector.broadcast %jit3A_650 : i32 to vector<16xi32>
        %select_n3A_652 = arith.select %and3A_647, %sub3A_649, %broadcast_in_dim3A_651 : vector<16xi1>, vector<16xi32>
        %swap3A_653 = arith.constant 3 : i32
        %swap3A_654 = arith.index_cast %swap3A_653 : i32 to index
        %swap3A_655 = arith.constant 16 : index
        %swap3A_656 = tpu.vector_load %arg7[%swap3A_654, %swap3A_655] {strides = array<i32>} : memref<8x128xi32, #tpu.memory_space<vmem>>, vector<1x16xi32>,
        %swap3A_657 = vector.shape_cast %swap3A_656 : vector<1x16xi32> to vector<16xi32>
        %swap3A_658 = vector.shape_cast %select_n3A_652 : vector<16xi32> to vector<1x16xi32>
        tpu.vector_store %arg7[%swap3A_654, %swap3A_655], %swap3A_658 {strides = array<i32>} : memref<8x128xi32, #tpu.memory_space<vmem>>, vector<1x16xi32>,
        %get3A_659 = arith.constant 3 : i32
        %get3A_660 = arith.index_cast %get3A_659 : i32 to index
        %get3A_661 = arith.constant 32 : index
        %get3A_662 = tpu.vector_load %arg7[%get3A_660, %get3A_661] {strides = array<i32>} : memref<8x128xi32, #tpu.memory_space<vmem>>, vector<1x16xi32>,
        %get3A_663 = vector.shape_cast %get3A_662 : vector<1x16xi32> to vector<16xi32>
        %ge3A_664 = vector.broadcast %mul3A_0 : i32 to vector<16xi32>
        %ge3A_665 = arith.cmpi sge, %get3A_663, %ge3A_664 : vector<16xi32>
        %lt3A_666 = vector.broadcast %add3A_1 : i32 to vector<16xi32>
        %lt3A_667 = arith.cmpi slt, %get3A_663, %lt3A_666 : vector<16xi32>
        %and3A_668 = arith.andi %ge3A_665, %lt3A_667 : vector<16xi1>
        %sub3A_669 = vector.broadcast %mul3A_0 : i32 to vector<16xi32>
        %sub3A_670 = arith.subi %get3A_663, %sub3A_669 : vector<16xi32>
        %jit3A_671 = arith.constant 5120 : i32
        %broadcast_in_dim3A_672 = vector.broadcast %jit3A_671 : i32 to vector<16xi32>
        %select_n3A_673 = arith.select %and3A_668, %sub3A_670, %broadcast_in_dim3A_672 : vector<16xi1>, vector<16xi32>
        %swap3A_674 = arith.constant 3 : i32
        %swap3A_675 = arith.index_cast %swap3A_674 : i32 to index
        %swap3A_676 = arith.constant 32 : index
        %swap3A_677 = tpu.vector_load %arg7[%swap3A_675, %swap3A_676] {strides = array<i32>} : memref<8x128xi32, #tpu.memory_space<vmem>>, vector<1x16xi32>,
        %swap3A_678 = vector.shape_cast %swap3A_677 : vector<1x16xi32> to vector<16xi32>
        %swap3A_679 = vector.shape_cast %select_n3A_673 : vector<16xi32> to vector<1x16xi32>
        tpu.vector_store %arg7[%swap3A_675, %swap3A_676], %swap3A_679 {strides = array<i32>} : memref<8x128xi32, #tpu.memory_space<vmem>>, vector<1x16xi32>,
        %get3A_680 = arith.constant 3 : i32
        %get3A_681 = arith.index_cast %get3A_680 : i32 to index
        %get3A_682 = arith.constant 48 : index
        %get3A_683 = tpu.vector_load %arg7[%get3A_681, %get3A_682] {strides = array<i32>} : memref<8x128xi32, #tpu.memory_space<vmem>>, vector<1x16xi32>,
        %get3A_684 = vector.shape_cast %get3A_683 : vector<1x16xi32> to vector<16xi32>
        %ge3A_685 = vector.broadcast %mul3A_0 : i32 to vector<16xi32>
        %ge3A_686 = arith.cmpi sge, %get3A_684, %ge3A_685 : vector<16xi32>
        %lt3A_687 = vector.broadcast %add3A_1 : i32 to vector<16xi32>
        %lt3A_688 = arith.cmpi slt, %get3A_684, %lt3A_687 : vector<16xi32>
        %and3A_689 = arith.andi %ge3A_686, %lt3A_688 : vector<16xi1>
        %sub3A_690 = vector.broadcast %mul3A_0 : i32 to vector<16xi32>
        %sub3A_691 = arith.subi %get3A_684, %sub3A_690 : vector<16xi32>
        %jit3A_692 = arith.constant 5120 : i32
        %broadcast_in_dim3A_693 = vector.broadcast %jit3A_692 : i32 to vector<16xi32>
        %select_n3A_694 = arith.select %and3A_689, %sub3A_691, %broadcast_in_dim3A_693 : vector<16xi1>, vector<16xi32>
        %swap3A_695 = arith.constant 3 : i32
        %swap3A_696 = arith.index_cast %swap3A_695 : i32 to index
        %swap3A_697 = arith.constant 48 : index
        %swap3A_698 = tpu.vector_load %arg7[%swap3A_696, %swap3A_697] {strides = array<i32>} : memref<8x128xi32, #tpu.memory_space<vmem>>, vector<1x16xi32>,
        %swap3A_699 = vector.shape_cast %swap3A_698 : vector<1x16xi32> to vector<16xi32>
        %swap3A_700 = vector.shape_cast %select_n3A_694 : vector<16xi32> to vector<1x16xi32>
        tpu.vector_store %arg7[%swap3A_696, %swap3A_697], %swap3A_700 {strides = array<i32>} : memref<8x128xi32, #tpu.memory_space<vmem>>, vector<1x16xi32>,
        %get3A_701 = arith.constant 3 : i32
        %get3A_702 = arith.index_cast %get3A_701 : i32 to index
        %get3A_703 = arith.constant 64 : index
        %get3A_704 = tpu.vector_load %arg7[%get3A_702, %get3A_703] {strides = array<i32>} : memref<8x128xi32, #tpu.memory_space<vmem>>, vector<1x16xi32>,
        %get3A_705 = vector.shape_cast %get3A_704 : vector<1x16xi32> to vector<16xi32>
        %ge3A_706 = vector.broadcast %mul3A_0 : i32 to vector<16xi32>
        %ge3A_707 = arith.cmpi sge, %get3A_705, %ge3A_706 : vector<16xi32>
        %lt3A_708 = vector.broadcast %add3A_1 : i32 to vector<16xi32>
        %lt3A_709 = arith.cmpi slt, %get3A_705, %lt3A_708 : vector<16xi32>
        %and3A_710 = arith.andi %ge3A_707, %lt3A_709 : vector<16xi1>
        %sub3A_711 = vector.broadcast %mul3A_0 : i32 to vector<16xi32>
        %sub3A_712 = arith.subi %get3A_705, %sub3A_711 : vector<16xi32>
        %jit3A_713 = arith.constant 5120 : i32
        %broadcast_in_dim3A_714 = vector.broadcast %jit3A_713 : i32 to vector<16xi32>
        %select_n3A_715 = arith.select %and3A_710, %sub3A_712, %broadcast_in_dim3A_714 : vector<16xi1>, vector<16xi32>
        %swap3A_716 = arith.constant 3 : i32
        %swap3A_717 = arith.index_cast %swap3A_716 : i32 to index
        %swap3A_718 = arith.constant 64 : index
        %swap3A_719 = tpu.vector_load %arg7[%swap3A_717, %swap3A_718] {strides = array<i32>} : memref<8x128xi32, #tpu.memory_space<vmem>>, vector<1x16xi32>,
        %swap3A_720 = vector.shape_cast %swap3A_719 : vector<1x16xi32> to vector<16xi32>
        %swap3A_721 = vector.shape_cast %select_n3A_715 : vector<16xi32> to vector<1x16xi32>
        tpu.vector_store %arg7[%swap3A_717, %swap3A_718], %swap3A_721 {strides = array<i32>} : memref<8x128xi32, #tpu.memory_space<vmem>>, vector<1x16xi32>,
        %get3A_722 = arith.constant 3 : i32
        %get3A_723 = arith.index_cast %get3A_722 : i32 to index
        %get3A_724 = arith.constant 80 : index
        %get3A_725 = tpu.vector_load %arg7[%get3A_723, %get3A_724] {strides = array<i32>} : memref<8x128xi32, #tpu.memory_space<vmem>>, vector<1x16xi32>,
        %get3A_726 = vector.shape_cast %get3A_725 : vector<1x16xi32> to vector<16xi32>
        %ge3A_727 = vector.broadcast %mul3A_0 : i32 to vector<16xi32>
        %ge3A_728 = arith.cmpi sge, %get3A_726, %ge3A_727 : vector<16xi32>
        %lt3A_729 = vector.broadcast %add3A_1 : i32 to vector<16xi32>
        %lt3A_730 = arith.cmpi slt, %get3A_726, %lt3A_729 : vector<16xi32>
        %and3A_731 = arith.andi %ge3A_728, %lt3A_730 : vector<16xi1>
        %sub3A_732 = vector.broadcast %mul3A_0 : i32 to vector<16xi32>
        %sub3A_733 = arith.subi %get3A_726, %sub3A_732 : vector<16xi32>
        %jit3A_734 = arith.constant 5120 : i32
        %broadcast_in_dim3A_735 = vector.broadcast %jit3A_734 : i32 to vector<16xi32>
        %select_n3A_736 = arith.select %and3A_731, %sub3A_733, %broadcast_in_dim3A_735 : vector<16xi1>, vector<16xi32>
        %swap3A_737 = arith.constant 3 : i32
        %swap3A_738 = arith.index_cast %swap3A_737 : i32 to index
        %swap3A_739 = arith.constant 80 : index
        %swap3A_740 = tpu.vector_load %arg7[%swap3A_738, %swap3A_739] {strides = array<i32>} : memref<8x128xi32, #tpu.memory_space<vmem>>, vector<1x16xi32>,
        %swap3A_741 = vector.shape_cast %swap3A_740 : vector<1x16xi32> to vector<16xi32>
        %swap3A_742 = vector.shape_cast %select_n3A_736 : vector<16xi32> to vector<1x16xi32>
        tpu.vector_store %arg7[%swap3A_738, %swap3A_739], %swap3A_742 {strides = array<i32>} : memref<8x128xi32, #tpu.memory_space<vmem>>, vector<1x16xi32>,
        %get3A_743 = arith.constant 3 : i32
        %get3A_744 = arith.index_cast %get3A_743 : i32 to index
        %get3A_745 = arith.constant 96 : index
        %get3A_746 = tpu.vector_load %arg7[%get3A_744, %get3A_745] {strides = array<i32>} : memref<8x128xi32, #tpu.memory_space<vmem>>, vector<1x16xi32>,
        %get3A_747 = vector.shape_cast %get3A_746 : vector<1x16xi32> to vector<16xi32>
        %ge3A_748 = vector.broadcast %mul3A_0 : i32 to vector<16xi32>
        %ge3A_749 = arith.cmpi sge, %get3A_747, %ge3A_748 : vector<16xi32>
        %lt3A_750 = vector.broadcast %add3A_1 : i32 to vector<16xi32>
        %lt3A_751 = arith.cmpi slt, %get3A_747, %lt3A_750 : vector<16xi32>
        %and3A_752 = arith.andi %ge3A_749, %lt3A_751 : vector<16xi1>
        %sub3A_753 = vector.broadcast %mul3A_0 : i32 to vector<16xi32>
        %sub3A_754 = arith.subi %get3A_747, %sub3A_753 : vector<16xi32>
        %jit3A_755 = arith.constant 5120 : i32
        %broadcast_in_dim3A_756 = vector.broadcast %jit3A_755 : i32 to vector<16xi32>
        %select_n3A_757 = arith.select %and3A_752, %sub3A_754, %broadcast_in_dim3A_756 : vector<16xi1>, vector<16xi32>
        %swap3A_758 = arith.constant 3 : i32
        %swap3A_759 = arith.index_cast %swap3A_758 : i32 to index
        %swap3A_760 = arith.constant 96 : index
        %swap3A_761 = tpu.vector_load %arg7[%swap3A_759, %swap3A_760] {strides = array<i32>} : memref<8x128xi32, #tpu.memory_space<vmem>>, vector<1x16xi32>,
        %swap3A_762 = vector.shape_cast %swap3A_761 : vector<1x16xi32> to vector<16xi32>
        %swap3A_763 = vector.shape_cast %select_n3A_757 : vector<16xi32> to vector<1x16xi32>
        tpu.vector_store %arg7[%swap3A_759, %swap3A_760], %swap3A_763 {strides = array<i32>} : memref<8x128xi32, #tpu.memory_space<vmem>>, vector<1x16xi32>,
        %get3A_764 = arith.constant 3 : i32
        %get3A_765 = arith.index_cast %get3A_764 : i32 to index
        %get3A_766 = arith.constant 112 : index
        %get3A_767 = tpu.vector_load %arg7[%get3A_765, %get3A_766] {strides = array<i32>} : memref<8x128xi32, #tpu.memory_space<vmem>>, vector<1x16xi32>,
        %get3A_768 = vector.shape_cast %get3A_767 : vector<1x16xi32> to vector<16xi32>
        %ge3A_769 = vector.broadcast %mul3A_0 : i32 to vector<16xi32>
        %ge3A_770 = arith.cmpi sge, %get3A_768, %ge3A_769 : vector<16xi32>
        %lt3A_771 = vector.broadcast %add3A_1 : i32 to vector<16xi32>
        %lt3A_772 = arith.cmpi slt, %get3A_768, %lt3A_771 : vector<16xi32>
        %and3A_773 = arith.andi %ge3A_770, %lt3A_772 : vector<16xi1>
        %sub3A_774 = vector.broadcast %mul3A_0 : i32 to vector<16xi32>
        %sub3A_775 = arith.subi %get3A_768, %sub3A_774 : vector<16xi32>
        %jit3A_776 = arith.constant 5120 : i32
        %broadcast_in_dim3A_777 = vector.broadcast %jit3A_776 : i32 to vector<16xi32>
        %select_n3A_778 = arith.select %and3A_773, %sub3A_775, %broadcast_in_dim3A_777 : vector<16xi1>, vector<16xi32>
        %swap3A_779 = arith.constant 3 : i32
        %swap3A_780 = arith.index_cast %swap3A_779 : i32 to index
        %swap3A_781 = arith.constant 112 : index
        %swap3A_782 = tpu.vector_load %arg7[%swap3A_780, %swap3A_781] {strides = array<i32>} : memref<8x128xi32, #tpu.memory_space<vmem>>, vector<1x16xi32>,
        %swap3A_783 = vector.shape_cast %swap3A_782 : vector<1x16xi32> to vector<16xi32>
        %swap3A_784 = vector.shape_cast %select_n3A_778 : vector<16xi32> to vector<1x16xi32>
        tpu.vector_store %arg7[%swap3A_780, %swap3A_781], %swap3A_784 {strides = array<i32>} : memref<8x128xi32, #tpu.memory_space<vmem>>, vector<1x16xi32>,
        %get3A_785 = arith.constant 4 : i32
        %get3A_786 = arith.index_cast %get3A_785 : i32 to index
        %get3A_787 = arith.constant 0 : index
        %get3A_788 = tpu.vector_load %arg7[%get3A_786, %get3A_787] {strides = array<i32>} : memref<8x128xi32, #tpu.memory_space<vmem>>, vector<1x16xi32>,
        %get3A_789 = vector.shape_cast %get3A_788 : vector<1x16xi32> to vector<16xi32>
        %ge3A_790 = vector.broadcast %mul3A_0 : i32 to vector<16xi32>
        %ge3A_791 = arith.cmpi sge, %get3A_789, %ge3A_790 : vector<16xi32>
        %lt3A_792 = vector.broadcast %add3A_1 : i32 to vector<16xi32>
        %lt3A_793 = arith.cmpi slt, %get3A_789, %lt3A_792 : vector<16xi32>
        %and3A_794 = arith.andi %ge3A_791, %lt3A_793 : vector<16xi1>
        %sub3A_795 = vector.broadcast %mul3A_0 : i32 to vector<16xi32>
        %sub3A_796 = arith.subi %get3A_789, %sub3A_795 : vector<16xi32>
        %jit3A_797 = arith.constant 5120 : i32
        %broadcast_in_dim3A_798 = vector.broadcast %jit3A_797 : i32 to vector<16xi32>
        %select_n3A_799 = arith.select %and3A_794, %sub3A_796, %broadcast_in_dim3A_798 : vector<16xi1>, vector<16xi32>
        %swap3A_800 = arith.constant 4 : i32
        %swap3A_801 = arith.index_cast %swap3A_800 : i32 to index
        %swap3A_802 = arith.constant 0 : index
        %swap3A_803 = tpu.vector_load %arg7[%swap3A_801, %swap3A_802] {strides = array<i32>} : memref<8x128xi32, #tpu.memory_space<vmem>>, vector<1x16xi32>,
        %swap3A_804 = vector.shape_cast %swap3A_803 : vector<1x16xi32> to vector<16xi32>
        %swap3A_805 = vector.shape_cast %select_n3A_799 : vector<16xi32> to vector<1x16xi32>
        tpu.vector_store %arg7[%swap3A_801, %swap3A_802], %swap3A_805 {strides = array<i32>} : memref<8x128xi32, #tpu.memory_space<vmem>>, vector<1x16xi32>,
        %get3A_806 = arith.constant 4 : i32
        %get3A_807 = arith.index_cast %get3A_806 : i32 to index
        %get3A_808 = arith.constant 16 : index
        %get3A_809 = tpu.vector_load %arg7[%get3A_807, %get3A_808] {strides = array<i32>} : memref<8x128xi32, #tpu.memory_space<vmem>>, vector<1x16xi32>,
        %get3A_810 = vector.shape_cast %get3A_809 : vector<1x16xi32> to vector<16xi32>
        %ge3A_811 = vector.broadcast %mul3A_0 : i32 to vector<16xi32>
        %ge3A_812 = arith.cmpi sge, %get3A_810, %ge3A_811 : vector<16xi32>
        %lt3A_813 = vector.broadcast %add3A_1 : i32 to vector<16xi32>
        %lt3A_814 = arith.cmpi slt, %get3A_810, %lt3A_813 : vector<16xi32>
        %and3A_815 = arith.andi %ge3A_812, %lt3A_814 : vector<16xi1>
        %sub3A_816 = vector.broadcast %mul3A_0 : i32 to vector<16xi32>
        %sub3A_817 = arith.subi %get3A_810, %sub3A_816 : vector<16xi32>
        %jit3A_818 = arith.constant 5120 : i32
        %broadcast_in_dim3A_819 = vector.broadcast %jit3A_818 : i32 to vector<16xi32>
        %select_n3A_820 = arith.select %and3A_815, %sub3A_817, %broadcast_in_dim3A_819 : vector<16xi1>, vector<16xi32>
        %swap3A_821 = arith.constant 4 : i32
        %swap3A_822 = arith.index_cast %swap3A_821 : i32 to index
        %swap3A_823 = arith.constant 16 : index
        %swap3A_824 = tpu.vector_load %arg7[%swap3A_822, %swap3A_823] {strides = array<i32>} : memref<8x128xi32, #tpu.memory_space<vmem>>, vector<1x16xi32>,
        %swap3A_825 = vector.shape_cast %swap3A_824 : vector<1x16xi32> to vector<16xi32>
        %swap3A_826 = vector.shape_cast %select_n3A_820 : vector<16xi32> to vector<1x16xi32>
        tpu.vector_store %arg7[%swap3A_822, %swap3A_823], %swap3A_826 {strides = array<i32>} : memref<8x128xi32, #tpu.memory_space<vmem>>, vector<1x16xi32>,
        %get3A_827 = arith.constant 4 : i32
        %get3A_828 = arith.index_cast %get3A_827 : i32 to index
        %get3A_829 = arith.constant 32 : index
        %get3A_830 = tpu.vector_load %arg7[%get3A_828, %get3A_829] {strides = array<i32>} : memref<8x128xi32, #tpu.memory_space<vmem>>, vector<1x16xi32>,
        %get3A_831 = vector.shape_cast %get3A_830 : vector<1x16xi32> to vector<16xi32>
        %ge3A_832 = vector.broadcast %mul3A_0 : i32 to vector<16xi32>
        %ge3A_833 = arith.cmpi sge, %get3A_831, %ge3A_832 : vector<16xi32>
        %lt3A_834 = vector.broadcast %add3A_1 : i32 to vector<16xi32>
        %lt3A_835 = arith.cmpi slt, %get3A_831, %lt3A_834 : vector<16xi32>
        %and3A_836 = arith.andi %ge3A_833, %lt3A_835 : vector<16xi1>
        %sub3A_837 = vector.broadcast %mul3A_0 : i32 to vector<16xi32>
        %sub3A_838 = arith.subi %get3A_831, %sub3A_837 : vector<16xi32>
        %jit3A_839 = arith.constant 5120 : i32
        %broadcast_in_dim3A_840 = vector.broadcast %jit3A_839 : i32 to vector<16xi32>
        %select_n3A_841 = arith.select %and3A_836, %sub3A_838, %broadcast_in_dim3A_840 : vector<16xi1>, vector<16xi32>
        %swap3A_842 = arith.constant 4 : i32
        %swap3A_843 = arith.index_cast %swap3A_842 : i32 to index
        %swap3A_844 = arith.constant 32 : index
        %swap3A_845 = tpu.vector_load %arg7[%swap3A_843, %swap3A_844] {strides = array<i32>} : memref<8x128xi32, #tpu.memory_space<vmem>>, vector<1x16xi32>,
        %swap3A_846 = vector.shape_cast %swap3A_845 : vector<1x16xi32> to vector<16xi32>
        %swap3A_847 = vector.shape_cast %select_n3A_841 : vector<16xi32> to vector<1x16xi32>
        tpu.vector_store %arg7[%swap3A_843, %swap3A_844], %swap3A_847 {strides = array<i32>} : memref<8x128xi32, #tpu.memory_space<vmem>>, vector<1x16xi32>,
        %get3A_848 = arith.constant 4 : i32
        %get3A_849 = arith.index_cast %get3A_848 : i32 to index
        %get3A_850 = arith.constant 48 : index
        %get3A_851 = tpu.vector_load %arg7[%get3A_849, %get3A_850] {strides = array<i32>} : memref<8x128xi32, #tpu.memory_space<vmem>>, vector<1x16xi32>,
        %get3A_852 = vector.shape_cast %get3A_851 : vector<1x16xi32> to vector<16xi32>
        %ge3A_853 = vector.broadcast %mul3A_0 : i32 to vector<16xi32>
        %ge3A_854 = arith.cmpi sge, %get3A_852, %ge3A_853 : vector<16xi32>
        %lt3A_855 = vector.broadcast %add3A_1 : i32 to vector<16xi32>
        %lt3A_856 = arith.cmpi slt, %get3A_852, %lt3A_855 : vector<16xi32>
        %and3A_857 = arith.andi %ge3A_854, %lt3A_856 : vector<16xi1>
        %sub3A_858 = vector.broadcast %mul3A_0 : i32 to vector<16xi32>
        %sub3A_859 = arith.subi %get3A_852, %sub3A_858 : vector<16xi32>
        %jit3A_860 = arith.constant 5120 : i32
        %broadcast_in_dim3A_861 = vector.broadcast %jit3A_860 : i32 to vector<16xi32>
        %select_n3A_862 = arith.select %and3A_857, %sub3A_859, %broadcast_in_dim3A_861 : vector<16xi1>, vector<16xi32>
        %swap3A_863 = arith.constant 4 : i32
        %swap3A_864 = arith.index_cast %swap3A_863 : i32 to index
        %swap3A_865 = arith.constant 48 : index
        %swap3A_866 = tpu.vector_load %arg7[%swap3A_864, %swap3A_865] {strides = array<i32>} : memref<8x128xi32, #tpu.memory_space<vmem>>, vector<1x16xi32>,
        %swap3A_867 = vector.shape_cast %swap3A_866 : vector<1x16xi32> to vector<16xi32>
        %swap3A_868 = vector.shape_cast %select_n3A_862 : vector<16xi32> to vector<1x16xi32>
        tpu.vector_store %arg7[%swap3A_864, %swap3A_865], %swap3A_868 {strides = array<i32>} : memref<8x128xi32, #tpu.memory_space<vmem>>, vector<1x16xi32>,
        %get3A_869 = arith.constant 4 : i32
        %get3A_870 = arith.index_cast %get3A_869 : i32 to index
        %get3A_871 = arith.constant 64 : index
        %get3A_872 = tpu.vector_load %arg7[%get3A_870, %get3A_871] {strides = array<i32>} : memref<8x128xi32, #tpu.memory_space<vmem>>, vector<1x16xi32>,
        %get3A_873 = vector.shape_cast %get3A_872 : vector<1x16xi32> to vector<16xi32>
        %ge3A_874 = vector.broadcast %mul3A_0 : i32 to vector<16xi32>
        %ge3A_875 = arith.cmpi sge, %get3A_873, %ge3A_874 : vector<16xi32>
        %lt3A_876 = vector.broadcast %add3A_1 : i32 to vector<16xi32>
        %lt3A_877 = arith.cmpi slt, %get3A_873, %lt3A_876 : vector<16xi32>
        %and3A_878 = arith.andi %ge3A_875, %lt3A_877 : vector<16xi1>
        %sub3A_879 = vector.broadcast %mul3A_0 : i32 to vector<16xi32>
        %sub3A_880 = arith.subi %get3A_873, %sub3A_879 : vector<16xi32>
        %jit3A_881 = arith.constant 5120 : i32
        %broadcast_in_dim3A_882 = vector.broadcast %jit3A_881 : i32 to vector<16xi32>
        %select_n3A_883 = arith.select %and3A_878, %sub3A_880, %broadcast_in_dim3A_882 : vector<16xi1>, vector<16xi32>
        %swap3A_884 = arith.constant 4 : i32
        %swap3A_885 = arith.index_cast %swap3A_884 : i32 to index
        %swap3A_886 = arith.constant 64 : index
        %swap3A_887 = tpu.vector_load %arg7[%swap3A_885, %swap3A_886] {strides = array<i32>} : memref<8x128xi32, #tpu.memory_space<vmem>>, vector<1x16xi32>,
        %swap3A_888 = vector.shape_cast %swap3A_887 : vector<1x16xi32> to vector<16xi32>
        %swap3A_889 = vector.shape_cast %select_n3A_883 : vector<16xi32> to vector<1x16xi32>
        tpu.vector_store %arg7[%swap3A_885, %swap3A_886], %swap3A_889 {strides = array<i32>} : memref<8x128xi32, #tpu.memory_space<vmem>>, vector<1x16xi32>,
        %get3A_890 = arith.constant 4 : i32
        %get3A_891 = arith.index_cast %get3A_890 : i32 to index
        %get3A_892 = arith.constant 80 : index
        %get3A_893 = tpu.vector_load %arg7[%get3A_891, %get3A_892] {strides = array<i32>} : memref<8x128xi32, #tpu.memory_space<vmem>>, vector<1x16xi32>,
        %get3A_894 = vector.shape_cast %get3A_893 : vector<1x16xi32> to vector<16xi32>
        %ge3A_895 = vector.broadcast %mul3A_0 : i32 to vector<16xi32>
        %ge3A_896 = arith.cmpi sge, %get3A_894, %ge3A_895 : vector<16xi32>
        %lt3A_897 = vector.broadcast %add3A_1 : i32 to vector<16xi32>
        %lt3A_898 = arith.cmpi slt, %get3A_894, %lt3A_897 : vector<16xi32>
        %and3A_899 = arith.andi %ge3A_896, %lt3A_898 : vector<16xi1>
        %sub3A_900 = vector.broadcast %mul3A_0 : i32 to vector<16xi32>
        %sub3A_901 = arith.subi %get3A_894, %sub3A_900 : vector<16xi32>
        %jit3A_902 = arith.constant 5120 : i32
        %broadcast_in_dim3A_903 = vector.broadcast %jit3A_902 : i32 to vector<16xi32>
        %select_n3A_904 = arith.select %and3A_899, %sub3A_901, %broadcast_in_dim3A_903 : vector<16xi1>, vector<16xi32>
        %swap3A_905 = arith.constant 4 : i32
        %swap3A_906 = arith.index_cast %swap3A_905 : i32 to index
        %swap3A_907 = arith.constant 80 : index
        %swap3A_908 = tpu.vector_load %arg7[%swap3A_906, %swap3A_907] {strides = array<i32>} : memref<8x128xi32, #tpu.memory_space<vmem>>, vector<1x16xi32>,
        %swap3A_909 = vector.shape_cast %swap3A_908 : vector<1x16xi32> to vector<16xi32>
        %swap3A_910 = vector.shape_cast %select_n3A_904 : vector<16xi32> to vector<1x16xi32>
        tpu.vector_store %arg7[%swap3A_906, %swap3A_907], %swap3A_910 {strides = array<i32>} : memref<8x128xi32, #tpu.memory_space<vmem>>, vector<1x16xi32>,
        %get3A_911 = arith.constant 4 : i32
        %get3A_912 = arith.index_cast %get3A_911 : i32 to index
        %get3A_913 = arith.constant 96 : index
        %get3A_914 = tpu.vector_load %arg7[%get3A_912, %get3A_913] {strides = array<i32>} : memref<8x128xi32, #tpu.memory_space<vmem>>, vector<1x16xi32>,
        %get3A_915 = vector.shape_cast %get3A_914 : vector<1x16xi32> to vector<16xi32>
        %ge3A_916 = vector.broadcast %mul3A_0 : i32 to vector<16xi32>
        %ge3A_917 = arith.cmpi sge, %get3A_915, %ge3A_916 : vector<16xi32>
        %lt3A_918 = vector.broadcast %add3A_1 : i32 to vector<16xi32>
        %lt3A_919 = arith.cmpi slt, %get3A_915, %lt3A_918 : vector<16xi32>
        %and3A_920 = arith.andi %ge3A_917, %lt3A_919 : vector<16xi1>
        %sub3A_921 = vector.broadcast %mul3A_0 : i32 to vector<16xi32>
        %sub3A_922 = arith.subi %get3A_915, %sub3A_921 : vector<16xi32>
        %jit3A_923 = arith.constant 5120 : i32
        %broadcast_in_dim3A_924 = vector.broadcast %jit3A_923 : i32 to vector<16xi32>
        %select_n3A_925 = arith.select %and3A_920, %sub3A_922, %broadcast_in_dim3A_924 : vector<16xi1>, vector<16xi32>
        %swap3A_926 = arith.constant 4 : i32
        %swap3A_927 = arith.index_cast %swap3A_926 : i32 to index
        %swap3A_928 = arith.constant 96 : index
        %swap3A_929 = tpu.vector_load %arg7[%swap3A_927, %swap3A_928] {strides = array<i32>} : memref<8x128xi32, #tpu.memory_space<vmem>>, vector<1x16xi32>,
        %swap3A_930 = vector.shape_cast %swap3A_929 : vector<1x16xi32> to vector<16xi32>
        %swap3A_931 = vector.shape_cast %select_n3A_925 : vector<16xi32> to vector<1x16xi32>
        tpu.vector_store %arg7[%swap3A_927, %swap3A_928], %swap3A_931 {strides = array<i32>} : memref<8x128xi32, #tpu.memory_space<vmem>>, vector<1x16xi32>,
        %get3A_932 = arith.constant 4 : i32
        %get3A_933 = arith.index_cast %get3A_932 : i32 to index
        %get3A_934 = arith.constant 112 : index
        %get3A_935 = tpu.vector_load %arg7[%get3A_933, %get3A_934] {strides = array<i32>} : memref<8x128xi32, #tpu.memory_space<vmem>>, vector<1x16xi32>,
        %get3A_936 = vector.shape_cast %get3A_935 : vector<1x16xi32> to vector<16xi32>
        %ge3A_937 = vector.broadcast %mul3A_0 : i32 to vector<16xi32>
        %ge3A_938 = arith.cmpi sge, %get3A_936, %ge3A_937 : vector<16xi32>
        %lt3A_939 = vector.broadcast %add3A_1 : i32 to vector<16xi32>
        %lt3A_940 = arith.cmpi slt, %get3A_936, %lt3A_939 : vector<16xi32>
        %and3A_941 = arith.andi %ge3A_938, %lt3A_940 : vector<16xi1>
        %sub3A_942 = vector.broadcast %mul3A_0 : i32 to vector<16xi32>
        %sub3A_943 = arith.subi %get3A_936, %sub3A_942 : vector<16xi32>
        %jit3A_944 = arith.constant 5120 : i32
        %broadcast_in_dim3A_945 = vector.broadcast %jit3A_944 : i32 to vector<16xi32>
        %select_n3A_946 = arith.select %and3A_941, %sub3A_943, %broadcast_in_dim3A_945 : vector<16xi1>, vector<16xi32>
        %swap3A_947 = arith.constant 4 : i32
        %swap3A_948 = arith.index_cast %swap3A_947 : i32 to index
        %swap3A_949 = arith.constant 112 : index
        %swap3A_950 = tpu.vector_load %arg7[%swap3A_948, %swap3A_949] {strides = array<i32>} : memref<8x128xi32, #tpu.memory_space<vmem>>, vector<1x16xi32>,
        %swap3A_951 = vector.shape_cast %swap3A_950 : vector<1x16xi32> to vector<16xi32>
        %swap3A_952 = vector.shape_cast %select_n3A_946 : vector<16xi32> to vector<1x16xi32>
        tpu.vector_store %arg7[%swap3A_948, %swap3A_949], %swap3A_952 {strides = array<i32>} : memref<8x128xi32, #tpu.memory_space<vmem>>, vector<1x16xi32>,
        %get3A_953 = arith.constant 5 : i32
        %get3A_954 = arith.index_cast %get3A_953 : i32 to index
        %get3A_955 = arith.constant 0 : index
        %get3A_956 = tpu.vector_load %arg7[%get3A_954, %get3A_955] {strides = array<i32>} : memref<8x128xi32, #tpu.memory_space<vmem>>, vector<1x16xi32>,
        %get3A_957 = vector.shape_cast %get3A_956 : vector<1x16xi32> to vector<16xi32>
        %ge3A_958 = vector.broadcast %mul3A_0 : i32 to vector<16xi32>
        %ge3A_959 = arith.cmpi sge, %get3A_957, %ge3A_958 : vector<16xi32>
        %lt3A_960 = vector.broadcast %add3A_1 : i32 to vector<16xi32>
        %lt3A_961 = arith.cmpi slt, %get3A_957, %lt3A_960 : vector<16xi32>
        %and3A_962 = arith.andi %ge3A_959, %lt3A_961 : vector<16xi1>
        %sub3A_963 = vector.broadcast %mul3A_0 : i32 to vector<16xi32>
        %sub3A_964 = arith.subi %get3A_957, %sub3A_963 : vector<16xi32>
        %jit3A_965 = arith.constant 5120 : i32
        %broadcast_in_dim3A_966 = vector.broadcast %jit3A_965 : i32 to vector<16xi32>
        %select_n3A_967 = arith.select %and3A_962, %sub3A_964, %broadcast_in_dim3A_966 : vector<16xi1>, vector<16xi32>
        %swap3A_968 = arith.constant 5 : i32
        %swap3A_969 = arith.index_cast %swap3A_968 : i32 to index
        %swap3A_970 = arith.constant 0 : index
        %swap3A_971 = tpu.vector_load %arg7[%swap3A_969, %swap3A_970] {strides = array<i32>} : memref<8x128xi32, #tpu.memory_space<vmem>>, vector<1x16xi32>,
        %swap3A_972 = vector.shape_cast %swap3A_971 : vector<1x16xi32> to vector<16xi32>
        %swap3A_973 = vector.shape_cast %select_n3A_967 : vector<16xi32> to vector<1x16xi32>
        tpu.vector_store %arg7[%swap3A_969, %swap3A_970], %swap3A_973 {strides = array<i32>} : memref<8x128xi32, #tpu.memory_space<vmem>>, vector<1x16xi32>,
        %get3A_974 = arith.constant 5 : i32
        %get3A_975 = arith.index_cast %get3A_974 : i32 to index
        %get3A_976 = arith.constant 16 : index
        %get3A_977 = tpu.vector_load %arg7[%get3A_975, %get3A_976] {strides = array<i32>} : memref<8x128xi32, #tpu.memory_space<vmem>>, vector<1x16xi32>,
        %get3A_978 = vector.shape_cast %get3A_977 : vector<1x16xi32> to vector<16xi32>
        %ge3A_979 = vector.broadcast %mul3A_0 : i32 to vector<16xi32>
        %ge3A_980 = arith.cmpi sge, %get3A_978, %ge3A_979 : vector<16xi32>
        %lt3A_981 = vector.broadcast %add3A_1 : i32 to vector<16xi32>
        %lt3A_982 = arith.cmpi slt, %get3A_978, %lt3A_981 : vector<16xi32>
        %and3A_983 = arith.andi %ge3A_980, %lt3A_982 : vector<16xi1>
        %sub3A_984 = vector.broadcast %mul3A_0 : i32 to vector<16xi32>
        %sub3A_985 = arith.subi %get3A_978, %sub3A_984 : vector<16xi32>
        %jit3A_986 = arith.constant 5120 : i32
        %broadcast_in_dim3A_987 = vector.broadcast %jit3A_986 : i32 to vector<16xi32>
        %select_n3A_988 = arith.select %and3A_983, %sub3A_985, %broadcast_in_dim3A_987 : vector<16xi1>, vector<16xi32>
        %swap3A_989 = arith.constant 5 : i32
        %swap3A_990 = arith.index_cast %swap3A_989 : i32 to index
        %swap3A_991 = arith.constant 16 : index
        %swap3A_992 = tpu.vector_load %arg7[%swap3A_990, %swap3A_991] {strides = array<i32>} : memref<8x128xi32, #tpu.memory_space<vmem>>, vector<1x16xi32>,
        %swap3A_993 = vector.shape_cast %swap3A_992 : vector<1x16xi32> to vector<16xi32>
        %swap3A_994 = vector.shape_cast %select_n3A_988 : vector<16xi32> to vector<1x16xi32>
        tpu.vector_store %arg7[%swap3A_990, %swap3A_991], %swap3A_994 {strides = array<i32>} : memref<8x128xi32, #tpu.memory_space<vmem>>, vector<1x16xi32>,
        %get3A_995 = arith.constant 5 : i32
        %get3A_996 = arith.index_cast %get3A_995 : i32 to index
        %get3A_997 = arith.constant 32 : index
        %get3A_998 = tpu.vector_load %arg7[%get3A_996, %get3A_997] {strides = array<i32>} : memref<8x128xi32, #tpu.memory_space<vmem>>, vector<1x16xi32>,
        %get3A_999 = vector.shape_cast %get3A_998 : vector<1x16xi32> to vector<16xi32>
        %ge3A_1000 = vector.broadcast %mul3A_0 : i32 to vector<16xi32>
        %ge3A_1001 = arith.cmpi sge, %get3A_999, %ge3A_1000 : vector<16xi32>
        %lt3A_1002 = vector.broadcast %add3A_1 : i32 to vector<16xi32>
        %lt3A_1003 = arith.cmpi slt, %get3A_999, %lt3A_1002 : vector<16xi32>
        %and3A_1004 = arith.andi %ge3A_1001, %lt3A_1003 : vector<16xi1>
        %sub3A_1005 = vector.broadcast %mul3A_0 : i32 to vector<16xi32>
        %sub3A_1006 = arith.subi %get3A_999, %sub3A_1005 : vector<16xi32>
        %jit3A_1007 = arith.constant 5120 : i32
        %broadcast_in_dim3A_1008 = vector.broadcast %jit3A_1007 : i32 to vector<16xi32>
        %select_n3A_1009 = arith.select %and3A_1004, %sub3A_1006, %broadcast_in_dim3A_1008 : vector<16xi1>, vector<16xi32>
        %swap3A_1010 = arith.constant 5 : i32
        %swap3A_1011 = arith.index_cast %swap3A_1010 : i32 to index
        %swap3A_1012 = arith.constant 32 : index
        %swap3A_1013 = tpu.vector_load %arg7[%swap3A_1011, %swap3A_1012] {strides = array<i32>} : memref<8x128xi32, #tpu.memory_space<vmem>>, vector<1x16xi32>,
        %swap3A_1014 = vector.shape_cast %swap3A_1013 : vector<1x16xi32> to vector<16xi32>
        %swap3A_1015 = vector.shape_cast %select_n3A_1009 : vector<16xi32> to vector<1x16xi32>
        tpu.vector_store %arg7[%swap3A_1011, %swap3A_1012], %swap3A_1015 {strides = array<i32>} : memref<8x128xi32, #tpu.memory_space<vmem>>, vector<1x16xi32>,
        %get3A_1016 = arith.constant 5 : i32
        %get3A_1017 = arith.index_cast %get3A_1016 : i32 to index
        %get3A_1018 = arith.constant 48 : index
        %get3A_1019 = tpu.vector_load %arg7[%get3A_1017, %get3A_1018] {strides = array<i32>} : memref<8x128xi32, #tpu.memory_space<vmem>>, vector<1x16xi32>,
        %get3A_1020 = vector.shape_cast %get3A_1019 : vector<1x16xi32> to vector<16xi32>
        %ge3A_1021 = vector.broadcast %mul3A_0 : i32 to vector<16xi32>
        %ge3A_1022 = arith.cmpi sge, %get3A_1020, %ge3A_1021 : vector<16xi32>
        %lt3A_1023 = vector.broadcast %add3A_1 : i32 to vector<16xi32>
        %lt3A_1024 = arith.cmpi slt, %get3A_1020, %lt3A_1023 : vector<16xi32>
        %and3A_1025 = arith.andi %ge3A_1022, %lt3A_1024 : vector<16xi1>
        %sub3A_1026 = vector.broadcast %mul3A_0 : i32 to vector<16xi32>
        %sub3A_1027 = arith.subi %get3A_1020, %sub3A_1026 : vector<16xi32>
        %jit3A_1028 = arith.constant 5120 : i32
        %broadcast_in_dim3A_1029 = vector.broadcast %jit3A_1028 : i32 to vector<16xi32>
        %select_n3A_1030 = arith.select %and3A_1025, %sub3A_1027, %broadcast_in_dim3A_1029 : vector<16xi1>, vector<16xi32>
        %swap3A_1031 = arith.constant 5 : i32
        %swap3A_1032 = arith.index_cast %swap3A_1031 : i32 to index
        %swap3A_1033 = arith.constant 48 : index
        %swap3A_1034 = tpu.vector_load %arg7[%swap3A_1032, %swap3A_1033] {strides = array<i32>} : memref<8x128xi32, #tpu.memory_space<vmem>>, vector<1x16xi32>,
        %swap3A_1035 = vector.shape_cast %swap3A_1034 : vector<1x16xi32> to vector<16xi32>
        %swap3A_1036 = vector.shape_cast %select_n3A_1030 : vector<16xi32> to vector<1x16xi32>
        tpu.vector_store %arg7[%swap3A_1032, %swap3A_1033], %swap3A_1036 {strides = array<i32>} : memref<8x128xi32, #tpu.memory_space<vmem>>, vector<1x16xi32>,
        %get3A_1037 = arith.constant 5 : i32
        %get3A_1038 = arith.index_cast %get3A_1037 : i32 to index
        %get3A_1039 = arith.constant 64 : index
        %get3A_1040 = tpu.vector_load %arg7[%get3A_1038, %get3A_1039] {strides = array<i32>} : memref<8x128xi32, #tpu.memory_space<vmem>>, vector<1x16xi32>,
        %get3A_1041 = vector.shape_cast %get3A_1040 : vector<1x16xi32> to vector<16xi32>
        %ge3A_1042 = vector.broadcast %mul3A_0 : i32 to vector<16xi32>
        %ge3A_1043 = arith.cmpi sge, %get3A_1041, %ge3A_1042 : vector<16xi32>
        %lt3A_1044 = vector.broadcast %add3A_1 : i32 to vector<16xi32>
        %lt3A_1045 = arith.cmpi slt, %get3A_1041, %lt3A_1044 : vector<16xi32>
        %and3A_1046 = arith.andi %ge3A_1043, %lt3A_1045 : vector<16xi1>
        %sub3A_1047 = vector.broadcast %mul3A_0 : i32 to vector<16xi32>
        %sub3A_1048 = arith.subi %get3A_1041, %sub3A_1047 : vector<16xi32>
        %jit3A_1049 = arith.constant 5120 : i32
        %broadcast_in_dim3A_1050 = vector.broadcast %jit3A_1049 : i32 to vector<16xi32>
        %select_n3A_1051 = arith.select %and3A_1046, %sub3A_1048, %broadcast_in_dim3A_1050 : vector<16xi1>, vector<16xi32>
        %swap3A_1052 = arith.constant 5 : i32
        %swap3A_1053 = arith.index_cast %swap3A_1052 : i32 to index
        %swap3A_1054 = arith.constant 64 : index
        %swap3A_1055 = tpu.vector_load %arg7[%swap3A_1053, %swap3A_1054] {strides = array<i32>} : memref<8x128xi32, #tpu.memory_space<vmem>>, vector<1x16xi32>,
        %swap3A_1056 = vector.shape_cast %swap3A_1055 : vector<1x16xi32> to vector<16xi32>
        %swap3A_1057 = vector.shape_cast %select_n3A_1051 : vector<16xi32> to vector<1x16xi32>
        tpu.vector_store %arg7[%swap3A_1053, %swap3A_1054], %swap3A_1057 {strides = array<i32>} : memref<8x128xi32, #tpu.memory_space<vmem>>, vector<1x16xi32>,
        %get3A_1058 = arith.constant 5 : i32
        %get3A_1059 = arith.index_cast %get3A_1058 : i32 to index
        %get3A_1060 = arith.constant 80 : index
        %get3A_1061 = tpu.vector_load %arg7[%get3A_1059, %get3A_1060] {strides = array<i32>} : memref<8x128xi32, #tpu.memory_space<vmem>>, vector<1x16xi32>,
        %get3A_1062 = vector.shape_cast %get3A_1061 : vector<1x16xi32> to vector<16xi32>
        %ge3A_1063 = vector.broadcast %mul3A_0 : i32 to vector<16xi32>
        %ge3A_1064 = arith.cmpi sge, %get3A_1062, %ge3A_1063 : vector<16xi32>
        %lt3A_1065 = vector.broadcast %add3A_1 : i32 to vector<16xi32>
        %lt3A_1066 = arith.cmpi slt, %get3A_1062, %lt3A_1065 : vector<16xi32>
        %and3A_1067 = arith.andi %ge3A_1064, %lt3A_1066 : vector<16xi1>
        %sub3A_1068 = vector.broadcast %mul3A_0 : i32 to vector<16xi32>
        %sub3A_1069 = arith.subi %get3A_1062, %sub3A_1068 : vector<16xi32>
        %jit3A_1070 = arith.constant 5120 : i32
        %broadcast_in_dim3A_1071 = vector.broadcast %jit3A_1070 : i32 to vector<16xi32>
        %select_n3A_1072 = arith.select %and3A_1067, %sub3A_1069, %broadcast_in_dim3A_1071 : vector<16xi1>, vector<16xi32>
        %swap3A_1073 = arith.constant 5 : i32
        %swap3A_1074 = arith.index_cast %swap3A_1073 : i32 to index
        %swap3A_1075 = arith.constant 80 : index
        %swap3A_1076 = tpu.vector_load %arg7[%swap3A_1074, %swap3A_1075] {strides = array<i32>} : memref<8x128xi32, #tpu.memory_space<vmem>>, vector<1x16xi32>,
        %swap3A_1077 = vector.shape_cast %swap3A_1076 : vector<1x16xi32> to vector<16xi32>
        %swap3A_1078 = vector.shape_cast %select_n3A_1072 : vector<16xi32> to vector<1x16xi32>
        tpu.vector_store %arg7[%swap3A_1074, %swap3A_1075], %swap3A_1078 {strides = array<i32>} : memref<8x128xi32, #tpu.memory_space<vmem>>, vector<1x16xi32>,
        %get3A_1079 = arith.constant 5 : i32
        %get3A_1080 = arith.index_cast %get3A_1079 : i32 to index
        %get3A_1081 = arith.constant 96 : index
        %get3A_1082 = tpu.vector_load %arg7[%get3A_1080, %get3A_1081] {strides = array<i32>} : memref<8x128xi32, #tpu.memory_space<vmem>>, vector<1x16xi32>,
        %get3A_1083 = vector.shape_cast %get3A_1082 : vector<1x16xi32> to vector<16xi32>
        %ge3A_1084 = vector.broadcast %mul3A_0 : i32 to vector<16xi32>
        %ge3A_1085 = arith.cmpi sge, %get3A_1083, %ge3A_1084 : vector<16xi32>
        %lt3A_1086 = vector.broadcast %add3A_1 : i32 to vector<16xi32>
        %lt3A_1087 = arith.cmpi slt, %get3A_1083, %lt3A_1086 : vector<16xi32>
        %and3A_1088 = arith.andi %ge3A_1085, %lt3A_1087 : vector<16xi1>
        %sub3A_1089 = vector.broadcast %mul3A_0 : i32 to vector<16xi32>
        %sub3A_1090 = arith.subi %get3A_1083, %sub3A_1089 : vector<16xi32>
        %jit3A_1091 = arith.constant 5120 : i32
        %broadcast_in_dim3A_1092 = vector.broadcast %jit3A_1091 : i32 to vector<16xi32>
        %select_n3A_1093 = arith.select %and3A_1088, %sub3A_1090, %broadcast_in_dim3A_1092 : vector<16xi1>, vector<16xi32>
        %swap3A_1094 = arith.constant 5 : i32
        %swap3A_1095 = arith.index_cast %swap3A_1094 : i32 to index
        %swap3A_1096 = arith.constant 96 : index
        %swap3A_1097 = tpu.vector_load %arg7[%swap3A_1095, %swap3A_1096] {strides = array<i32>} : memref<8x128xi32, #tpu.memory_space<vmem>>, vector<1x16xi32>,
        %swap3A_1098 = vector.shape_cast %swap3A_1097 : vector<1x16xi32> to vector<16xi32>
        %swap3A_1099 = vector.shape_cast %select_n3A_1093 : vector<16xi32> to vector<1x16xi32>
        tpu.vector_store %arg7[%swap3A_1095, %swap3A_1096], %swap3A_1099 {strides = array<i32>} : memref<8x128xi32, #tpu.memory_space<vmem>>, vector<1x16xi32>,
        %get3A_1100 = arith.constant 5 : i32
        %get3A_1101 = arith.index_cast %get3A_1100 : i32 to index
        %get3A_1102 = arith.constant 112 : index
        %get3A_1103 = tpu.vector_load %arg7[%get3A_1101, %get3A_1102] {strides = array<i32>} : memref<8x128xi32, #tpu.memory_space<vmem>>, vector<1x16xi32>,
        %get3A_1104 = vector.shape_cast %get3A_1103 : vector<1x16xi32> to vector<16xi32>
        %ge3A_1105 = vector.broadcast %mul3A_0 : i32 to vector<16xi32>
        %ge3A_1106 = arith.cmpi sge, %get3A_1104, %ge3A_1105 : vector<16xi32>
        %lt3A_1107 = vector.broadcast %add3A_1 : i32 to vector<16xi32>
        %lt3A_1108 = arith.cmpi slt, %get3A_1104, %lt3A_1107 : vector<16xi32>
        %and3A_1109 = arith.andi %ge3A_1106, %lt3A_1108 : vector<16xi1>
        %sub3A_1110 = vector.broadcast %mul3A_0 : i32 to vector<16xi32>
        %sub3A_1111 = arith.subi %get3A_1104, %sub3A_1110 : vector<16xi32>
        %jit3A_1112 = arith.constant 5120 : i32
        %broadcast_in_dim3A_1113 = vector.broadcast %jit3A_1112 : i32 to vector<16xi32>
        %select_n3A_1114 = arith.select %and3A_1109, %sub3A_1111, %broadcast_in_dim3A_1113 : vector<16xi1>, vector<16xi32>
        %swap3A_1115 = arith.constant 5 : i32
        %swap3A_1116 = arith.index_cast %swap3A_1115 : i32 to index
        %swap3A_1117 = arith.constant 112 : index
        %swap3A_1118 = tpu.vector_load %arg7[%swap3A_1116, %swap3A_1117] {strides = array<i32>} : memref<8x128xi32, #tpu.memory_space<vmem>>, vector<1x16xi32>,
        %swap3A_1119 = vector.shape_cast %swap3A_1118 : vector<1x16xi32> to vector<16xi32>
        %swap3A_1120 = vector.shape_cast %select_n3A_1114 : vector<16xi32> to vector<1x16xi32>
        tpu.vector_store %arg7[%swap3A_1116, %swap3A_1117], %swap3A_1120 {strides = array<i32>} : memref<8x128xi32, #tpu.memory_space<vmem>>, vector<1x16xi32>,
        %get3A_1121 = arith.constant 6 : i32
        %get3A_1122 = arith.index_cast %get3A_1121 : i32 to index
        %get3A_1123 = arith.constant 0 : index
        %get3A_1124 = tpu.vector_load %arg7[%get3A_1122, %get3A_1123] {strides = array<i32>} : memref<8x128xi32, #tpu.memory_space<vmem>>, vector<1x16xi32>,
        %get3A_1125 = vector.shape_cast %get3A_1124 : vector<1x16xi32> to vector<16xi32>
        %ge3A_1126 = vector.broadcast %mul3A_0 : i32 to vector<16xi32>
        %ge3A_1127 = arith.cmpi sge, %get3A_1125, %ge3A_1126 : vector<16xi32>
        %lt3A_1128 = vector.broadcast %add3A_1 : i32 to vector<16xi32>
        %lt3A_1129 = arith.cmpi slt, %get3A_1125, %lt3A_1128 : vector<16xi32>
        %and3A_1130 = arith.andi %ge3A_1127, %lt3A_1129 : vector<16xi1>
        %sub3A_1131 = vector.broadcast %mul3A_0 : i32 to vector<16xi32>
        %sub3A_1132 = arith.subi %get3A_1125, %sub3A_1131 : vector<16xi32>
        %jit3A_1133 = arith.constant 5120 : i32
        %broadcast_in_dim3A_1134 = vector.broadcast %jit3A_1133 : i32 to vector<16xi32>
        %select_n3A_1135 = arith.select %and3A_1130, %sub3A_1132, %broadcast_in_dim3A_1134 : vector<16xi1>, vector<16xi32>
        %swap3A_1136 = arith.constant 6 : i32
        %swap3A_1137 = arith.index_cast %swap3A_1136 : i32 to index
        %swap3A_1138 = arith.constant 0 : index
        %swap3A_1139 = tpu.vector_load %arg7[%swap3A_1137, %swap3A_1138] {strides = array<i32>} : memref<8x128xi32, #tpu.memory_space<vmem>>, vector<1x16xi32>,
        %swap3A_1140 = vector.shape_cast %swap3A_1139 : vector<1x16xi32> to vector<16xi32>
        %swap3A_1141 = vector.shape_cast %select_n3A_1135 : vector<16xi32> to vector<1x16xi32>
        tpu.vector_store %arg7[%swap3A_1137, %swap3A_1138], %swap3A_1141 {strides = array<i32>} : memref<8x128xi32, #tpu.memory_space<vmem>>, vector<1x16xi32>,
        %get3A_1142 = arith.constant 6 : i32
        %get3A_1143 = arith.index_cast %get3A_1142 : i32 to index
        %get3A_1144 = arith.constant 16 : index
        %get3A_1145 = tpu.vector_load %arg7[%get3A_1143, %get3A_1144] {strides = array<i32>} : memref<8x128xi32, #tpu.memory_space<vmem>>, vector<1x16xi32>,
        %get3A_1146 = vector.shape_cast %get3A_1145 : vector<1x16xi32> to vector<16xi32>
        %ge3A_1147 = vector.broadcast %mul3A_0 : i32 to vector<16xi32>
        %ge3A_1148 = arith.cmpi sge, %get3A_1146, %ge3A_1147 : vector<16xi32>
        %lt3A_1149 = vector.broadcast %add3A_1 : i32 to vector<16xi32>
        %lt3A_1150 = arith.cmpi slt, %get3A_1146, %lt3A_1149 : vector<16xi32>
        %and3A_1151 = arith.andi %ge3A_1148, %lt3A_1150 : vector<16xi1>
        %sub3A_1152 = vector.broadcast %mul3A_0 : i32 to vector<16xi32>
        %sub3A_1153 = arith.subi %get3A_1146, %sub3A_1152 : vector<16xi32>
        %jit3A_1154 = arith.constant 5120 : i32
        %broadcast_in_dim3A_1155 = vector.broadcast %jit3A_1154 : i32 to vector<16xi32>
        %select_n3A_1156 = arith.select %and3A_1151, %sub3A_1153, %broadcast_in_dim3A_1155 : vector<16xi1>, vector<16xi32>
        %swap3A_1157 = arith.constant 6 : i32
        %swap3A_1158 = arith.index_cast %swap3A_1157 : i32 to index
        %swap3A_1159 = arith.constant 16 : index
        %swap3A_1160 = tpu.vector_load %arg7[%swap3A_1158, %swap3A_1159] {strides = array<i32>} : memref<8x128xi32, #tpu.memory_space<vmem>>, vector<1x16xi32>,
        %swap3A_1161 = vector.shape_cast %swap3A_1160 : vector<1x16xi32> to vector<16xi32>
        %swap3A_1162 = vector.shape_cast %select_n3A_1156 : vector<16xi32> to vector<1x16xi32>
        tpu.vector_store %arg7[%swap3A_1158, %swap3A_1159], %swap3A_1162 {strides = array<i32>} : memref<8x128xi32, #tpu.memory_space<vmem>>, vector<1x16xi32>,
        %get3A_1163 = arith.constant 6 : i32
        %get3A_1164 = arith.index_cast %get3A_1163 : i32 to index
        %get3A_1165 = arith.constant 32 : index
        %get3A_1166 = tpu.vector_load %arg7[%get3A_1164, %get3A_1165] {strides = array<i32>} : memref<8x128xi32, #tpu.memory_space<vmem>>, vector<1x16xi32>,
        %get3A_1167 = vector.shape_cast %get3A_1166 : vector<1x16xi32> to vector<16xi32>
        %ge3A_1168 = vector.broadcast %mul3A_0 : i32 to vector<16xi32>
        %ge3A_1169 = arith.cmpi sge, %get3A_1167, %ge3A_1168 : vector<16xi32>
        %lt3A_1170 = vector.broadcast %add3A_1 : i32 to vector<16xi32>
        %lt3A_1171 = arith.cmpi slt, %get3A_1167, %lt3A_1170 : vector<16xi32>
        %and3A_1172 = arith.andi %ge3A_1169, %lt3A_1171 : vector<16xi1>
        %sub3A_1173 = vector.broadcast %mul3A_0 : i32 to vector<16xi32>
        %sub3A_1174 = arith.subi %get3A_1167, %sub3A_1173 : vector<16xi32>
        %jit3A_1175 = arith.constant 5120 : i32
        %broadcast_in_dim3A_1176 = vector.broadcast %jit3A_1175 : i32 to vector<16xi32>
        %select_n3A_1177 = arith.select %and3A_1172, %sub3A_1174, %broadcast_in_dim3A_1176 : vector<16xi1>, vector<16xi32>
        %swap3A_1178 = arith.constant 6 : i32
        %swap3A_1179 = arith.index_cast %swap3A_1178 : i32 to index
        %swap3A_1180 = arith.constant 32 : index
        %swap3A_1181 = tpu.vector_load %arg7[%swap3A_1179, %swap3A_1180] {strides = array<i32>} : memref<8x128xi32, #tpu.memory_space<vmem>>, vector<1x16xi32>,
        %swap3A_1182 = vector.shape_cast %swap3A_1181 : vector<1x16xi32> to vector<16xi32>
        %swap3A_1183 = vector.shape_cast %select_n3A_1177 : vector<16xi32> to vector<1x16xi32>
        tpu.vector_store %arg7[%swap3A_1179, %swap3A_1180], %swap3A_1183 {strides = array<i32>} : memref<8x128xi32, #tpu.memory_space<vmem>>, vector<1x16xi32>,
        %get3A_1184 = arith.constant 6 : i32
        %get3A_1185 = arith.index_cast %get3A_1184 : i32 to index
        %get3A_1186 = arith.constant 48 : index
        %get3A_1187 = tpu.vector_load %arg7[%get3A_1185, %get3A_1186] {strides = array<i32>} : memref<8x128xi32, #tpu.memory_space<vmem>>, vector<1x16xi32>,
        %get3A_1188 = vector.shape_cast %get3A_1187 : vector<1x16xi32> to vector<16xi32>
        %ge3A_1189 = vector.broadcast %mul3A_0 : i32 to vector<16xi32>
        %ge3A_1190 = arith.cmpi sge, %get3A_1188, %ge3A_1189 : vector<16xi32>
        %lt3A_1191 = vector.broadcast %add3A_1 : i32 to vector<16xi32>
        %lt3A_1192 = arith.cmpi slt, %get3A_1188, %lt3A_1191 : vector<16xi32>
        %and3A_1193 = arith.andi %ge3A_1190, %lt3A_1192 : vector<16xi1>
        %sub3A_1194 = vector.broadcast %mul3A_0 : i32 to vector<16xi32>
        %sub3A_1195 = arith.subi %get3A_1188, %sub3A_1194 : vector<16xi32>
        %jit3A_1196 = arith.constant 5120 : i32
        %broadcast_in_dim3A_1197 = vector.broadcast %jit3A_1196 : i32 to vector<16xi32>
        %select_n3A_1198 = arith.select %and3A_1193, %sub3A_1195, %broadcast_in_dim3A_1197 : vector<16xi1>, vector<16xi32>
        %swap3A_1199 = arith.constant 6 : i32
        %swap3A_1200 = arith.index_cast %swap3A_1199 : i32 to index
        %swap3A_1201 = arith.constant 48 : index
        %swap3A_1202 = tpu.vector_load %arg7[%swap3A_1200, %swap3A_1201] {strides = array<i32>} : memref<8x128xi32, #tpu.memory_space<vmem>>, vector<1x16xi32>,
        %swap3A_1203 = vector.shape_cast %swap3A_1202 : vector<1x16xi32> to vector<16xi32>
        %swap3A_1204 = vector.shape_cast %select_n3A_1198 : vector<16xi32> to vector<1x16xi32>
        tpu.vector_store %arg7[%swap3A_1200, %swap3A_1201], %swap3A_1204 {strides = array<i32>} : memref<8x128xi32, #tpu.memory_space<vmem>>, vector<1x16xi32>,
        %get3A_1205 = arith.constant 6 : i32
        %get3A_1206 = arith.index_cast %get3A_1205 : i32 to index
        %get3A_1207 = arith.constant 64 : index
        %get3A_1208 = tpu.vector_load %arg7[%get3A_1206, %get3A_1207] {strides = array<i32>} : memref<8x128xi32, #tpu.memory_space<vmem>>, vector<1x16xi32>,
        %get3A_1209 = vector.shape_cast %get3A_1208 : vector<1x16xi32> to vector<16xi32>
        %ge3A_1210 = vector.broadcast %mul3A_0 : i32 to vector<16xi32>
        %ge3A_1211 = arith.cmpi sge, %get3A_1209, %ge3A_1210 : vector<16xi32>
        %lt3A_1212 = vector.broadcast %add3A_1 : i32 to vector<16xi32>
        %lt3A_1213 = arith.cmpi slt, %get3A_1209, %lt3A_1212 : vector<16xi32>
        %and3A_1214 = arith.andi %ge3A_1211, %lt3A_1213 : vector<16xi1>
        %sub3A_1215 = vector.broadcast %mul3A_0 : i32 to vector<16xi32>
        %sub3A_1216 = arith.subi %get3A_1209, %sub3A_1215 : vector<16xi32>
        %jit3A_1217 = arith.constant 5120 : i32
        %broadcast_in_dim3A_1218 = vector.broadcast %jit3A_1217 : i32 to vector<16xi32>
        %select_n3A_1219 = arith.select %and3A_1214, %sub3A_1216, %broadcast_in_dim3A_1218 : vector<16xi1>, vector<16xi32>
        %swap3A_1220 = arith.constant 6 : i32
        %swap3A_1221 = arith.index_cast %swap3A_1220 : i32 to index
        %swap3A_1222 = arith.constant 64 : index
        %swap3A_1223 = tpu.vector_load %arg7[%swap3A_1221, %swap3A_1222] {strides = array<i32>} : memref<8x128xi32, #tpu.memory_space<vmem>>, vector<1x16xi32>,
        %swap3A_1224 = vector.shape_cast %swap3A_1223 : vector<1x16xi32> to vector<16xi32>
        %swap3A_1225 = vector.shape_cast %select_n3A_1219 : vector<16xi32> to vector<1x16xi32>
        tpu.vector_store %arg7[%swap3A_1221, %swap3A_1222], %swap3A_1225 {strides = array<i32>} : memref<8x128xi32, #tpu.memory_space<vmem>>, vector<1x16xi32>,
        %get3A_1226 = arith.constant 6 : i32
        %get3A_1227 = arith.index_cast %get3A_1226 : i32 to index
        %get3A_1228 = arith.constant 80 : index
        %get3A_1229 = tpu.vector_load %arg7[%get3A_1227, %get3A_1228] {strides = array<i32>} : memref<8x128xi32, #tpu.memory_space<vmem>>, vector<1x16xi32>,
        %get3A_1230 = vector.shape_cast %get3A_1229 : vector<1x16xi32> to vector<16xi32>
        %ge3A_1231 = vector.broadcast %mul3A_0 : i32 to vector<16xi32>
        %ge3A_1232 = arith.cmpi sge, %get3A_1230, %ge3A_1231 : vector<16xi32>
        %lt3A_1233 = vector.broadcast %add3A_1 : i32 to vector<16xi32>
        %lt3A_1234 = arith.cmpi slt, %get3A_1230, %lt3A_1233 : vector<16xi32>
        %and3A_1235 = arith.andi %ge3A_1232, %lt3A_1234 : vector<16xi1>
        %sub3A_1236 = vector.broadcast %mul3A_0 : i32 to vector<16xi32>
        %sub3A_1237 = arith.subi %get3A_1230, %sub3A_1236 : vector<16xi32>
        %jit3A_1238 = arith.constant 5120 : i32
        %broadcast_in_dim3A_1239 = vector.broadcast %jit3A_1238 : i32 to vector<16xi32>
        %select_n3A_1240 = arith.select %and3A_1235, %sub3A_1237, %broadcast_in_dim3A_1239 : vector<16xi1>, vector<16xi32>
        %swap3A_1241 = arith.constant 6 : i32
        %swap3A_1242 = arith.index_cast %swap3A_1241 : i32 to index
        %swap3A_1243 = arith.constant 80 : index
        %swap3A_1244 = tpu.vector_load %arg7[%swap3A_1242, %swap3A_1243] {strides = array<i32>} : memref<8x128xi32, #tpu.memory_space<vmem>>, vector<1x16xi32>,
        %swap3A_1245 = vector.shape_cast %swap3A_1244 : vector<1x16xi32> to vector<16xi32>
        %swap3A_1246 = vector.shape_cast %select_n3A_1240 : vector<16xi32> to vector<1x16xi32>
        tpu.vector_store %arg7[%swap3A_1242, %swap3A_1243], %swap3A_1246 {strides = array<i32>} : memref<8x128xi32, #tpu.memory_space<vmem>>, vector<1x16xi32>,
        %get3A_1247 = arith.constant 6 : i32
        %get3A_1248 = arith.index_cast %get3A_1247 : i32 to index
        %get3A_1249 = arith.constant 96 : index
        %get3A_1250 = tpu.vector_load %arg7[%get3A_1248, %get3A_1249] {strides = array<i32>} : memref<8x128xi32, #tpu.memory_space<vmem>>, vector<1x16xi32>,
        %get3A_1251 = vector.shape_cast %get3A_1250 : vector<1x16xi32> to vector<16xi32>
        %ge3A_1252 = vector.broadcast %mul3A_0 : i32 to vector<16xi32>
        %ge3A_1253 = arith.cmpi sge, %get3A_1251, %ge3A_1252 : vector<16xi32>
        %lt3A_1254 = vector.broadcast %add3A_1 : i32 to vector<16xi32>
        %lt3A_1255 = arith.cmpi slt, %get3A_1251, %lt3A_1254 : vector<16xi32>
        %and3A_1256 = arith.andi %ge3A_1253, %lt3A_1255 : vector<16xi1>
        %sub3A_1257 = vector.broadcast %mul3A_0 : i32 to vector<16xi32>
        %sub3A_1258 = arith.subi %get3A_1251, %sub3A_1257 : vector<16xi32>
        %jit3A_1259 = arith.constant 5120 : i32
        %broadcast_in_dim3A_1260 = vector.broadcast %jit3A_1259 : i32 to vector<16xi32>
        %select_n3A_1261 = arith.select %and3A_1256, %sub3A_1258, %broadcast_in_dim3A_1260 : vector<16xi1>, vector<16xi32>
        %swap3A_1262 = arith.constant 6 : i32
        %swap3A_1263 = arith.index_cast %swap3A_1262 : i32 to index
        %swap3A_1264 = arith.constant 96 : index
        %swap3A_1265 = tpu.vector_load %arg7[%swap3A_1263, %swap3A_1264] {strides = array<i32>} : memref<8x128xi32, #tpu.memory_space<vmem>>, vector<1x16xi32>,
        %swap3A_1266 = vector.shape_cast %swap3A_1265 : vector<1x16xi32> to vector<16xi32>
        %swap3A_1267 = vector.shape_cast %select_n3A_1261 : vector<16xi32> to vector<1x16xi32>
        tpu.vector_store %arg7[%swap3A_1263, %swap3A_1264], %swap3A_1267 {strides = array<i32>} : memref<8x128xi32, #tpu.memory_space<vmem>>, vector<1x16xi32>,
        %get3A_1268 = arith.constant 6 : i32
        %get3A_1269 = arith.index_cast %get3A_1268 : i32 to index
        %get3A_1270 = arith.constant 112 : index
        %get3A_1271 = tpu.vector_load %arg7[%get3A_1269, %get3A_1270] {strides = array<i32>} : memref<8x128xi32, #tpu.memory_space<vmem>>, vector<1x16xi32>,
        %get3A_1272 = vector.shape_cast %get3A_1271 : vector<1x16xi32> to vector<16xi32>
        %ge3A_1273 = vector.broadcast %mul3A_0 : i32 to vector<16xi32>
        %ge3A_1274 = arith.cmpi sge, %get3A_1272, %ge3A_1273 : vector<16xi32>
        %lt3A_1275 = vector.broadcast %add3A_1 : i32 to vector<16xi32>
        %lt3A_1276 = arith.cmpi slt, %get3A_1272, %lt3A_1275 : vector<16xi32>
        %and3A_1277 = arith.andi %ge3A_1274, %lt3A_1276 : vector<16xi1>
        %sub3A_1278 = vector.broadcast %mul3A_0 : i32 to vector<16xi32>
        %sub3A_1279 = arith.subi %get3A_1272, %sub3A_1278 : vector<16xi32>
        %jit3A_1280 = arith.constant 5120 : i32
        %broadcast_in_dim3A_1281 = vector.broadcast %jit3A_1280 : i32 to vector<16xi32>
        %select_n3A_1282 = arith.select %and3A_1277, %sub3A_1279, %broadcast_in_dim3A_1281 : vector<16xi1>, vector<16xi32>
        %swap3A_1283 = arith.constant 6 : i32
        %swap3A_1284 = arith.index_cast %swap3A_1283 : i32 to index
        %swap3A_1285 = arith.constant 112 : index
        %swap3A_1286 = tpu.vector_load %arg7[%swap3A_1284, %swap3A_1285] {strides = array<i32>} : memref<8x128xi32, #tpu.memory_space<vmem>>, vector<1x16xi32>,
        %swap3A_1287 = vector.shape_cast %swap3A_1286 : vector<1x16xi32> to vector<16xi32>
        %swap3A_1288 = vector.shape_cast %select_n3A_1282 : vector<16xi32> to vector<1x16xi32>
        tpu.vector_store %arg7[%swap3A_1284, %swap3A_1285], %swap3A_1288 {strides = array<i32>} : memref<8x128xi32, #tpu.memory_space<vmem>>, vector<1x16xi32>,
        %get3A_1289 = arith.constant 7 : i32
        %get3A_1290 = arith.index_cast %get3A_1289 : i32 to index
        %get3A_1291 = arith.constant 0 : index
        %get3A_1292 = tpu.vector_load %arg7[%get3A_1290, %get3A_1291] {strides = array<i32>} : memref<8x128xi32, #tpu.memory_space<vmem>>, vector<1x16xi32>,
        %get3A_1293 = vector.shape_cast %get3A_1292 : vector<1x16xi32> to vector<16xi32>
        %ge3A_1294 = vector.broadcast %mul3A_0 : i32 to vector<16xi32>
        %ge3A_1295 = arith.cmpi sge, %get3A_1293, %ge3A_1294 : vector<16xi32>
        %lt3A_1296 = vector.broadcast %add3A_1 : i32 to vector<16xi32>
        %lt3A_1297 = arith.cmpi slt, %get3A_1293, %lt3A_1296 : vector<16xi32>
        %and3A_1298 = arith.andi %ge3A_1295, %lt3A_1297 : vector<16xi1>
        %sub3A_1299 = vector.broadcast %mul3A_0 : i32 to vector<16xi32>
        %sub3A_1300 = arith.subi %get3A_1293, %sub3A_1299 : vector<16xi32>
        %jit3A_1301 = arith.constant 5120 : i32
        %broadcast_in_dim3A_1302 = vector.broadcast %jit3A_1301 : i32 to vector<16xi32>
        %select_n3A_1303 = arith.select %and3A_1298, %sub3A_1300, %broadcast_in_dim3A_1302 : vector<16xi1>, vector<16xi32>
        %swap3A_1304 = arith.constant 7 : i32
        %swap3A_1305 = arith.index_cast %swap3A_1304 : i32 to index
        %swap3A_1306 = arith.constant 0 : index
        %swap3A_1307 = tpu.vector_load %arg7[%swap3A_1305, %swap3A_1306] {strides = array<i32>} : memref<8x128xi32, #tpu.memory_space<vmem>>, vector<1x16xi32>,
        %swap3A_1308 = vector.shape_cast %swap3A_1307 : vector<1x16xi32> to vector<16xi32>
        %swap3A_1309 = vector.shape_cast %select_n3A_1303 : vector<16xi32> to vector<1x16xi32>
        tpu.vector_store %arg7[%swap3A_1305, %swap3A_1306], %swap3A_1309 {strides = array<i32>} : memref<8x128xi32, #tpu.memory_space<vmem>>, vector<1x16xi32>,
        %get3A_1310 = arith.constant 7 : i32
        %get3A_1311 = arith.index_cast %get3A_1310 : i32 to index
        %get3A_1312 = arith.constant 16 : index
        %get3A_1313 = tpu.vector_load %arg7[%get3A_1311, %get3A_1312] {strides = array<i32>} : memref<8x128xi32, #tpu.memory_space<vmem>>, vector<1x16xi32>,
        %get3A_1314 = vector.shape_cast %get3A_1313 : vector<1x16xi32> to vector<16xi32>
        %ge3A_1315 = vector.broadcast %mul3A_0 : i32 to vector<16xi32>
        %ge3A_1316 = arith.cmpi sge, %get3A_1314, %ge3A_1315 : vector<16xi32>
        %lt3A_1317 = vector.broadcast %add3A_1 : i32 to vector<16xi32>
        %lt3A_1318 = arith.cmpi slt, %get3A_1314, %lt3A_1317 : vector<16xi32>
        %and3A_1319 = arith.andi %ge3A_1316, %lt3A_1318 : vector<16xi1>
        %sub3A_1320 = vector.broadcast %mul3A_0 : i32 to vector<16xi32>
        %sub3A_1321 = arith.subi %get3A_1314, %sub3A_1320 : vector<16xi32>
        %jit3A_1322 = arith.constant 5120 : i32
        %broadcast_in_dim3A_1323 = vector.broadcast %jit3A_1322 : i32 to vector<16xi32>
        %select_n3A_1324 = arith.select %and3A_1319, %sub3A_1321, %broadcast_in_dim3A_1323 : vector<16xi1>, vector<16xi32>
        %swap3A_1325 = arith.constant 7 : i32
        %swap3A_1326 = arith.index_cast %swap3A_1325 : i32 to index
        %swap3A_1327 = arith.constant 16 : index
        %swap3A_1328 = tpu.vector_load %arg7[%swap3A_1326, %swap3A_1327] {strides = array<i32>} : memref<8x128xi32, #tpu.memory_space<vmem>>, vector<1x16xi32>,
        %swap3A_1329 = vector.shape_cast %swap3A_1328 : vector<1x16xi32> to vector<16xi32>
        %swap3A_1330 = vector.shape_cast %select_n3A_1324 : vector<16xi32> to vector<1x16xi32>
        tpu.vector_store %arg7[%swap3A_1326, %swap3A_1327], %swap3A_1330 {strides = array<i32>} : memref<8x128xi32, #tpu.memory_space<vmem>>, vector<1x16xi32>,
        %get3A_1331 = arith.constant 7 : i32
        %get3A_1332 = arith.index_cast %get3A_1331 : i32 to index
        %get3A_1333 = arith.constant 32 : index
        %get3A_1334 = tpu.vector_load %arg7[%get3A_1332, %get3A_1333] {strides = array<i32>} : memref<8x128xi32, #tpu.memory_space<vmem>>, vector<1x16xi32>,
        %get3A_1335 = vector.shape_cast %get3A_1334 : vector<1x16xi32> to vector<16xi32>
        %ge3A_1336 = vector.broadcast %mul3A_0 : i32 to vector<16xi32>
        %ge3A_1337 = arith.cmpi sge, %get3A_1335, %ge3A_1336 : vector<16xi32>
        %lt3A_1338 = vector.broadcast %add3A_1 : i32 to vector<16xi32>
        %lt3A_1339 = arith.cmpi slt, %get3A_1335, %lt3A_1338 : vector<16xi32>
        %and3A_1340 = arith.andi %ge3A_1337, %lt3A_1339 : vector<16xi1>
        %sub3A_1341 = vector.broadcast %mul3A_0 : i32 to vector<16xi32>
        %sub3A_1342 = arith.subi %get3A_1335, %sub3A_1341 : vector<16xi32>
        %jit3A_1343 = arith.constant 5120 : i32
        %broadcast_in_dim3A_1344 = vector.broadcast %jit3A_1343 : i32 to vector<16xi32>
        %select_n3A_1345 = arith.select %and3A_1340, %sub3A_1342, %broadcast_in_dim3A_1344 : vector<16xi1>, vector<16xi32>
        %swap3A_1346 = arith.constant 7 : i32
        %swap3A_1347 = arith.index_cast %swap3A_1346 : i32 to index
        %swap3A_1348 = arith.constant 32 : index
        %swap3A_1349 = tpu.vector_load %arg7[%swap3A_1347, %swap3A_1348] {strides = array<i32>} : memref<8x128xi32, #tpu.memory_space<vmem>>, vector<1x16xi32>,
        %swap3A_1350 = vector.shape_cast %swap3A_1349 : vector<1x16xi32> to vector<16xi32>
        %swap3A_1351 = vector.shape_cast %select_n3A_1345 : vector<16xi32> to vector<1x16xi32>
        tpu.vector_store %arg7[%swap3A_1347, %swap3A_1348], %swap3A_1351 {strides = array<i32>} : memref<8x128xi32, #tpu.memory_space<vmem>>, vector<1x16xi32>,
        %get3A_1352 = arith.constant 7 : i32
        %get3A_1353 = arith.index_cast %get3A_1352 : i32 to index
        %get3A_1354 = arith.constant 48 : index
        %get3A_1355 = tpu.vector_load %arg7[%get3A_1353, %get3A_1354] {strides = array<i32>} : memref<8x128xi32, #tpu.memory_space<vmem>>, vector<1x16xi32>,
        %get3A_1356 = vector.shape_cast %get3A_1355 : vector<1x16xi32> to vector<16xi32>
        %ge3A_1357 = vector.broadcast %mul3A_0 : i32 to vector<16xi32>
        %ge3A_1358 = arith.cmpi sge, %get3A_1356, %ge3A_1357 : vector<16xi32>
        %lt3A_1359 = vector.broadcast %add3A_1 : i32 to vector<16xi32>
        %lt3A_1360 = arith.cmpi slt, %get3A_1356, %lt3A_1359 : vector<16xi32>
        %and3A_1361 = arith.andi %ge3A_1358, %lt3A_1360 : vector<16xi1>
        %sub3A_1362 = vector.broadcast %mul3A_0 : i32 to vector<16xi32>
        %sub3A_1363 = arith.subi %get3A_1356, %sub3A_1362 : vector<16xi32>
        %jit3A_1364 = arith.constant 5120 : i32
        %broadcast_in_dim3A_1365 = vector.broadcast %jit3A_1364 : i32 to vector<16xi32>
        %select_n3A_1366 = arith.select %and3A_1361, %sub3A_1363, %broadcast_in_dim3A_1365 : vector<16xi1>, vector<16xi32>
        %swap3A_1367 = arith.constant 7 : i32
        %swap3A_1368 = arith.index_cast %swap3A_1367 : i32 to index
        %swap3A_1369 = arith.constant 48 : index
        %swap3A_1370 = tpu.vector_load %arg7[%swap3A_1368, %swap3A_1369] {strides = array<i32>} : memref<8x128xi32, #tpu.memory_space<vmem>>, vector<1x16xi32>,
        %swap3A_1371 = vector.shape_cast %swap3A_1370 : vector<1x16xi32> to vector<16xi32>
        %swap3A_1372 = vector.shape_cast %select_n3A_1366 : vector<16xi32> to vector<1x16xi32>
        tpu.vector_store %arg7[%swap3A_1368, %swap3A_1369], %swap3A_1372 {strides = array<i32>} : memref<8x128xi32, #tpu.memory_space<vmem>>, vector<1x16xi32>,
        %get3A_1373 = arith.constant 7 : i32
        %get3A_1374 = arith.index_cast %get3A_1373 : i32 to index
        %get3A_1375 = arith.constant 64 : index
        %get3A_1376 = tpu.vector_load %arg7[%get3A_1374, %get3A_1375] {strides = array<i32>} : memref<8x128xi32, #tpu.memory_space<vmem>>, vector<1x16xi32>,
        %get3A_1377 = vector.shape_cast %get3A_1376 : vector<1x16xi32> to vector<16xi32>
        %ge3A_1378 = vector.broadcast %mul3A_0 : i32 to vector<16xi32>
        %ge3A_1379 = arith.cmpi sge, %get3A_1377, %ge3A_1378 : vector<16xi32>
        %lt3A_1380 = vector.broadcast %add3A_1 : i32 to vector<16xi32>
        %lt3A_1381 = arith.cmpi slt, %get3A_1377, %lt3A_1380 : vector<16xi32>
        %and3A_1382 = arith.andi %ge3A_1379, %lt3A_1381 : vector<16xi1>
        %sub3A_1383 = vector.broadcast %mul3A_0 : i32 to vector<16xi32>
        %sub3A_1384 = arith.subi %get3A_1377, %sub3A_1383 : vector<16xi32>
        %jit3A_1385 = arith.constant 5120 : i32
        %broadcast_in_dim3A_1386 = vector.broadcast %jit3A_1385 : i32 to vector<16xi32>
        %select_n3A_1387 = arith.select %and3A_1382, %sub3A_1384, %broadcast_in_dim3A_1386 : vector<16xi1>, vector<16xi32>
        %swap3A_1388 = arith.constant 7 : i32
        %swap3A_1389 = arith.index_cast %swap3A_1388 : i32 to index
        %swap3A_1390 = arith.constant 64 : index
        %swap3A_1391 = tpu.vector_load %arg7[%swap3A_1389, %swap3A_1390] {strides = array<i32>} : memref<8x128xi32, #tpu.memory_space<vmem>>, vector<1x16xi32>,
        %swap3A_1392 = vector.shape_cast %swap3A_1391 : vector<1x16xi32> to vector<16xi32>
        %swap3A_1393 = vector.shape_cast %select_n3A_1387 : vector<16xi32> to vector<1x16xi32>
        tpu.vector_store %arg7[%swap3A_1389, %swap3A_1390], %swap3A_1393 {strides = array<i32>} : memref<8x128xi32, #tpu.memory_space<vmem>>, vector<1x16xi32>,
        %get3A_1394 = arith.constant 7 : i32
        %get3A_1395 = arith.index_cast %get3A_1394 : i32 to index
        %get3A_1396 = arith.constant 80 : index
        %get3A_1397 = tpu.vector_load %arg7[%get3A_1395, %get3A_1396] {strides = array<i32>} : memref<8x128xi32, #tpu.memory_space<vmem>>, vector<1x16xi32>,
        %get3A_1398 = vector.shape_cast %get3A_1397 : vector<1x16xi32> to vector<16xi32>
        %ge3A_1399 = vector.broadcast %mul3A_0 : i32 to vector<16xi32>
        %ge3A_1400 = arith.cmpi sge, %get3A_1398, %ge3A_1399 : vector<16xi32>
        %lt3A_1401 = vector.broadcast %add3A_1 : i32 to vector<16xi32>
        %lt3A_1402 = arith.cmpi slt, %get3A_1398, %lt3A_1401 : vector<16xi32>
        %and3A_1403 = arith.andi %ge3A_1400, %lt3A_1402 : vector<16xi1>
        %sub3A_1404 = vector.broadcast %mul3A_0 : i32 to vector<16xi32>
        %sub3A_1405 = arith.subi %get3A_1398, %sub3A_1404 : vector<16xi32>
        %jit3A_1406 = arith.constant 5120 : i32
        %broadcast_in_dim3A_1407 = vector.broadcast %jit3A_1406 : i32 to vector<16xi32>
        %select_n3A_1408 = arith.select %and3A_1403, %sub3A_1405, %broadcast_in_dim3A_1407 : vector<16xi1>, vector<16xi32>
        %swap3A_1409 = arith.constant 7 : i32
        %swap3A_1410 = arith.index_cast %swap3A_1409 : i32 to index
        %swap3A_1411 = arith.constant 80 : index
        %swap3A_1412 = tpu.vector_load %arg7[%swap3A_1410, %swap3A_1411] {strides = array<i32>} : memref<8x128xi32, #tpu.memory_space<vmem>>, vector<1x16xi32>,
        %swap3A_1413 = vector.shape_cast %swap3A_1412 : vector<1x16xi32> to vector<16xi32>
        %swap3A_1414 = vector.shape_cast %select_n3A_1408 : vector<16xi32> to vector<1x16xi32>
        tpu.vector_store %arg7[%swap3A_1410, %swap3A_1411], %swap3A_1414 {strides = array<i32>} : memref<8x128xi32, #tpu.memory_space<vmem>>, vector<1x16xi32>,
        %get3A_1415 = arith.constant 7 : i32
        %get3A_1416 = arith.index_cast %get3A_1415 : i32 to index
        %get3A_1417 = arith.constant 96 : index
        %get3A_1418 = tpu.vector_load %arg7[%get3A_1416, %get3A_1417] {strides = array<i32>} : memref<8x128xi32, #tpu.memory_space<vmem>>, vector<1x16xi32>,
        %get3A_1419 = vector.shape_cast %get3A_1418 : vector<1x16xi32> to vector<16xi32>
        %ge3A_1420 = vector.broadcast %mul3A_0 : i32 to vector<16xi32>
        %ge3A_1421 = arith.cmpi sge, %get3A_1419, %ge3A_1420 : vector<16xi32>
        %lt3A_1422 = vector.broadcast %add3A_1 : i32 to vector<16xi32>
        %lt3A_1423 = arith.cmpi slt, %get3A_1419, %lt3A_1422 : vector<16xi32>
        %and3A_1424 = arith.andi %ge3A_1421, %lt3A_1423 : vector<16xi1>
        %sub3A_1425 = vector.broadcast %mul3A_0 : i32 to vector<16xi32>
        %sub3A_1426 = arith.subi %get3A_1419, %sub3A_1425 : vector<16xi32>
        %jit3A_1427 = arith.constant 5120 : i32
        %broadcast_in_dim3A_1428 = vector.broadcast %jit3A_1427 : i32 to vector<16xi32>
        %select_n3A_1429 = arith.select %and3A_1424, %sub3A_1426, %broadcast_in_dim3A_1428 : vector<16xi1>, vector<16xi32>
        %swap3A_1430 = arith.constant 7 : i32
        %swap3A_1431 = arith.index_cast %swap3A_1430 : i32 to index
        %swap3A_1432 = arith.constant 96 : index
        %swap3A_1433 = tpu.vector_load %arg7[%swap3A_1431, %swap3A_1432] {strides = array<i32>} : memref<8x128xi32, #tpu.memory_space<vmem>>, vector<1x16xi32>,
        %swap3A_1434 = vector.shape_cast %swap3A_1433 : vector<1x16xi32> to vector<16xi32>
        %swap3A_1435 = vector.shape_cast %select_n3A_1429 : vector<16xi32> to vector<1x16xi32>
        tpu.vector_store %arg7[%swap3A_1431, %swap3A_1432], %swap3A_1435 {strides = array<i32>} : memref<8x128xi32, #tpu.memory_space<vmem>>, vector<1x16xi32>,
        %get3A_1436 = arith.constant 7 : i32
        %get3A_1437 = arith.index_cast %get3A_1436 : i32 to index
        %get3A_1438 = arith.constant 112 : index
        %get3A_1439 = tpu.vector_load %arg7[%get3A_1437, %get3A_1438] {strides = array<i32>} : memref<8x128xi32, #tpu.memory_space<vmem>>, vector<1x16xi32>,
        %get3A_1440 = vector.shape_cast %get3A_1439 : vector<1x16xi32> to vector<16xi32>
        %ge3A_1441 = vector.broadcast %mul3A_0 : i32 to vector<16xi32>
        %ge3A_1442 = arith.cmpi sge, %get3A_1440, %ge3A_1441 : vector<16xi32>
        %lt3A_1443 = vector.broadcast %add3A_1 : i32 to vector<16xi32>
        %lt3A_1444 = arith.cmpi slt, %get3A_1440, %lt3A_1443 : vector<16xi32>
        %and3A_1445 = arith.andi %ge3A_1442, %lt3A_1444 : vector<16xi1>
        %sub3A_1446 = vector.broadcast %mul3A_0 : i32 to vector<16xi32>
        %sub3A_1447 = arith.subi %get3A_1440, %sub3A_1446 : vector<16xi32>
        %jit3A_1448 = arith.constant 5120 : i32
        %broadcast_in_dim3A_1449 = vector.broadcast %jit3A_1448 : i32 to vector<16xi32>
        %select_n3A_1450 = arith.select %and3A_1445, %sub3A_1447, %broadcast_in_dim3A_1449 : vector<16xi1>, vector<16xi32>
        %swap3A_1451 = arith.constant 7 : i32
        %swap3A_1452 = arith.index_cast %swap3A_1451 : i32 to index
        %swap3A_1453 = arith.constant 112 : index
        %swap3A_1454 = tpu.vector_load %arg7[%swap3A_1452, %swap3A_1453] {strides = array<i32>} : memref<8x128xi32, #tpu.memory_space<vmem>>, vector<1x16xi32>,
        %swap3A_1455 = vector.shape_cast %swap3A_1454 : vector<1x16xi32> to vector<16xi32>
        %swap3A_1456 = vector.shape_cast %select_n3A_1450 : vector<16xi32> to vector<1x16xi32>
        tpu.vector_store %arg7[%swap3A_1452, %swap3A_1453], %swap3A_1456 {strides = array<i32>} : memref<8x128xi32, #tpu.memory_space<vmem>>, vector<1x16xi32>,
        %mul3A_1457 = arith.constant 1024 : i32
        %mul3A_1458 = arith.muli %add3A_20, %mul3A_1457 : i32
        %dma_start3A = arith.constant 0 : i32
        %dma_start3A_1459 = tpu.memref_slice %arg2[%mul3A_1458, %dma_start3A] : memref<327680x128xf32, #tpu.memory_space<hbm>> -> memref<256x128xf32, #tpu.memory_space<hbm>>
        %dma_start3A_1460 = arith.constant 0 : i32
        %dma_start3A_1461 = tpu.memref_slice %arg2[%mul3A_1458, %dma_start3A_1460] : memref<327680x128xf32, #tpu.memory_space<hbm>> -> memref<256x128xf32, #tpu.memory_space<hbm>>
        tpu.enqueue_dma source(%dma_start3A_1461 : memref<256x128xf32, #tpu.memory_space<hbm>>) target(%arg8 : memref<256x128xf32, #tpu.memory_space<vmem>>) target_semaphore(%arg11 : memref<!tpu.dma_semaphore, #tpu.memory_space<semaphore_mem>>)
        %mul3A_1462 = arith.constant 1024 : i32
        %mul3A_1463 = arith.muli %add3A_20, %mul3A_1462 : i32
        %add3A_1464 = arith.constant 256 : i32
        %add3A_1465 = arith.addi %mul3A_1463, %add3A_1464 : i32
        %dma_start3A_1466 = arith.constant 0 : i32
        %dma_start3A_1467 = tpu.memref_slice %arg2[%add3A_1465, %dma_start3A_1466] : memref<327680x128xf32, #tpu.memory_space<hbm>> -> memref<256x128xf32, #tpu.memory_space<hbm>>
        %dma_start3A_1468 = arith.constant 0 : i32
        %dma_start3A_1469 = tpu.memref_slice %arg2[%add3A_1465, %dma_start3A_1468] : memref<327680x128xf32, #tpu.memory_space<hbm>> -> memref<256x128xf32, #tpu.memory_space<hbm>>
        tpu.enqueue_dma source(%dma_start3A_1469 : memref<256x128xf32, #tpu.memory_space<hbm>>) target(%arg9 : memref<256x128xf32, #tpu.memory_space<vmem>>) target_semaphore(%arg12 : memref<!tpu.dma_semaphore, #tpu.memory_space<semaphore_mem>>)
        %dma_wait3A = arith.constant 0 : i32
        %dma_wait3A_1470 = tpu.memref_slice %arg2[%mul3A_1458, %dma_wait3A] : memref<327680x128xf32, #tpu.memory_space<hbm>> -> memref<256x128xf32, #tpu.memory_space<hbm>>
        %dma_wait3A_1471 = arith.constant 0 : i32
        %dma_wait3A_1472 = tpu.memref_slice %arg2[%mul3A_1458, %dma_wait3A_1471] : memref<327680x128xf32, #tpu.memory_space<hbm>> -> memref<256x128xf32, #tpu.memory_space<hbm>>
        tpu.wait_dma2 semaphore(%arg11 : memref<!tpu.dma_semaphore, #tpu.memory_space<semaphore_mem>>) src(%dma_wait3A_1472 : memref<256x128xf32, #tpu.memory_space<hbm>>) dst(%arg8 : memref<256x128xf32, #tpu.memory_space<vmem>>)
        %dma_start3A_1473 = arith.constant 0 : i32
        %dma_start3A_1474 = arith.constant 0 : i32
        %dma_start3A_1475 = arith.constant 0 : i32
        %dma_start3A_1476 = tpu.memref_slice %arg8[%dma_start3A_1474, %dma_start3A_1475] : memref<256x128xf32, #tpu.memory_space<vmem>> -> memref<128x128xf32, #tpu.memory_space<vmem>>
        %dma_start3A_1477 = arith.constant 0 : i32
        %dma_start3A_1478 = tpu.memref_slice %arg7[%dma_start3A_1473, %dma_start3A_1477] : memref<8x128xi32, #tpu.memory_space<vmem>> -> memref<1x128xi32, #tpu.memory_space<vmem>>
        %dma_start3A_1479 = tpu.memref_squeeze %dma_start3A_1478 : memref<1x128xi32, #tpu.memory_space<vmem>> -> memref<128xi32, #tpu.memory_space<vmem>>
        %dma_start3A_1480 = arith.constant 0 : i32
        %dma_start3A_1481 = arith.constant 0 : i32
        %dma_start3A_1482 = tpu.memref_slice %arg15[%dma_start3A_1480, %dma_start3A_1481] : memref<5632x128xf32, #tpu.memory_space<vmem_shared>> -> memref<5632x128xf32, #tpu.memory_space<vmem_shared>>
        tpu.enqueue_indirect_dma source(%dma_start3A_1476 : memref<128x128xf32, #tpu.memory_space<vmem>>) target(%dma_start3A_1482 : memref<5632x128xf32, #tpu.memory_space<vmem_shared>>) offsets(%dma_start3A_1479 : memref<128xi32, #tpu.memory_space<vmem>>) semaphore(%arg13 : memref<!tpu.dma_semaphore, #tpu.memory_space<semaphore_mem>>) {add = true}
        %dma_start3A_1483 = arith.constant 1 : i32
        %dma_start3A_1484 = arith.constant 128 : i32
        %dma_start3A_1485 = arith.constant 0 : i32
        %dma_start3A_1486 = tpu.memref_slice %arg8[%dma_start3A_1484, %dma_start3A_1485] : memref<256x128xf32, #tpu.memory_space<vmem>> -> memref<128x128xf32, #tpu.memory_space<vmem>>
        %dma_start3A_1487 = arith.constant 0 : i32
        %dma_start3A_1488 = tpu.memref_slice %arg7[%dma_start3A_1483, %dma_start3A_1487] : memref<8x128xi32, #tpu.memory_space<vmem>> -> memref<1x128xi32, #tpu.memory_space<vmem>>
        %dma_start3A_1489 = tpu.memref_squeeze %dma_start3A_1488 : memref<1x128xi32, #tpu.memory_space<vmem>> -> memref<128xi32, #tpu.memory_space<vmem>>
        %dma_start3A_1490 = arith.constant 0 : i32
        %dma_start3A_1491 = arith.constant 0 : i32
        %dma_start3A_1492 = tpu.memref_slice %arg15[%dma_start3A_1490, %dma_start3A_1491] : memref<5632x128xf32, #tpu.memory_space<vmem_shared>> -> memref<5632x128xf32, #tpu.memory_space<vmem_shared>>
        tpu.enqueue_indirect_dma source(%dma_start3A_1486 : memref<128x128xf32, #tpu.memory_space<vmem>>) target(%dma_start3A_1492 : memref<5632x128xf32, #tpu.memory_space<vmem_shared>>) offsets(%dma_start3A_1489 : memref<128xi32, #tpu.memory_space<vmem>>) semaphore(%arg13 : memref<!tpu.dma_semaphore, #tpu.memory_space<semaphore_mem>>) {add = true}
        %dma_wait3A_1493 = arith.constant 0 : i32
        %dma_wait3A_1494 = arith.constant 0 : i32
        %dma_wait3A_1495 = arith.constant 0 : i32
        %dma_wait3A_1496 = tpu.memref_slice %arg8[%dma_wait3A_1494, %dma_wait3A_1495] : memref<256x128xf32, #tpu.memory_space<vmem>> -> memref<128x128xf32, #tpu.memory_space<vmem>>
        %dma_wait3A_1497 = arith.constant 0 : i32
        %dma_wait3A_1498 = tpu.memref_slice %arg7[%dma_wait3A_1493, %dma_wait3A_1497] : memref<8x128xi32, #tpu.memory_space<vmem>> -> memref<1x128xi32, #tpu.memory_space<vmem>>
        %dma_wait3A_1499 = tpu.memref_squeeze %dma_wait3A_1498 : memref<1x128xi32, #tpu.memory_space<vmem>> -> memref<128xi32, #tpu.memory_space<vmem>>
        %dma_wait3A_1500 = arith.constant 0 : i32
        %dma_wait3A_1501 = arith.constant 0 : i32
        %dma_wait3A_1502 = tpu.memref_slice %arg15[%dma_wait3A_1500, %dma_wait3A_1501] : memref<5632x128xf32, #tpu.memory_space<vmem_shared>> -> memref<5632x128xf32, #tpu.memory_space<vmem_shared>>
        tpu.wait_indirect_dma semaphore(%arg13 : memref<!tpu.dma_semaphore, #tpu.memory_space<semaphore_mem>>) src(%dma_wait3A_1496 : memref<128x128xf32, #tpu.memory_space<vmem>>) dst(%dma_wait3A_1502 : memref<5632x128xf32, #tpu.memory_space<vmem_shared>>)
        %dma_wait3A_1503 = arith.constant 1 : i32
        %dma_wait3A_1504 = arith.constant 128 : i32
        %dma_wait3A_1505 = arith.constant 0 : i32
        %dma_wait3A_1506 = tpu.memref_slice %arg8[%dma_wait3A_1504, %dma_wait3A_1505] : memref<256x128xf32, #tpu.memory_space<vmem>> -> memref<128x128xf32, #tpu.memory_space<vmem>>
        %dma_wait3A_1507 = arith.constant 0 : i32
        %dma_wait3A_1508 = tpu.memref_slice %arg7[%dma_wait3A_1503, %dma_wait3A_1507] : memref<8x128xi32, #tpu.memory_space<vmem>> -> memref<1x128xi32, #tpu.memory_space<vmem>>
        %dma_wait3A_1509 = tpu.memref_squeeze %dma_wait3A_1508 : memref<1x128xi32, #tpu.memory_space<vmem>> -> memref<128xi32, #tpu.memory_space<vmem>>
        %dma_wait3A_1510 = arith.constant 0 : i32
        %dma_wait3A_1511 = arith.constant 0 : i32
        %dma_wait3A_1512 = tpu.memref_slice %arg15[%dma_wait3A_1510, %dma_wait3A_1511] : memref<5632x128xf32, #tpu.memory_space<vmem_shared>> -> memref<5632x128xf32, #tpu.memory_space<vmem_shared>>
        tpu.wait_indirect_dma semaphore(%arg13 : memref<!tpu.dma_semaphore, #tpu.memory_space<semaphore_mem>>) src(%dma_wait3A_1506 : memref<128x128xf32, #tpu.memory_space<vmem>>) dst(%dma_wait3A_1512 : memref<5632x128xf32, #tpu.memory_space<vmem_shared>>)
        %mul3A_1513 = arith.constant 1024 : i32
        %mul3A_1514 = arith.muli %add3A_20, %mul3A_1513 : i32
        %add3A_1515 = arith.constant 512 : i32
        %add3A_1516 = arith.addi %mul3A_1514, %add3A_1515 : i32
        %dma_start3A_1517 = arith.constant 0 : i32
        %dma_start3A_1518 = tpu.memref_slice %arg2[%add3A_1516, %dma_start3A_1517] : memref<327680x128xf32, #tpu.memory_space<hbm>> -> memref<256x128xf32, #tpu.memory_space<hbm>>
        %dma_start3A_1519 = arith.constant 0 : i32
        %dma_start3A_1520 = tpu.memref_slice %arg2[%add3A_1516, %dma_start3A_1519] : memref<327680x128xf32, #tpu.memory_space<hbm>> -> memref<256x128xf32, #tpu.memory_space<hbm>>
        tpu.enqueue_dma source(%dma_start3A_1520 : memref<256x128xf32, #tpu.memory_space<hbm>>) target(%arg8 : memref<256x128xf32, #tpu.memory_space<vmem>>) target_semaphore(%arg11 : memref<!tpu.dma_semaphore, #tpu.memory_space<semaphore_mem>>)
        %dma_wait3A_1521 = arith.constant 0 : i32
        %dma_wait3A_1522 = tpu.memref_slice %arg2[%add3A_1465, %dma_wait3A_1521] : memref<327680x128xf32, #tpu.memory_space<hbm>> -> memref<256x128xf32, #tpu.memory_space<hbm>>
        %dma_wait3A_1523 = arith.constant 0 : i32
        %dma_wait3A_1524 = tpu.memref_slice %arg2[%add3A_1465, %dma_wait3A_1523] : memref<327680x128xf32, #tpu.memory_space<hbm>> -> memref<256x128xf32, #tpu.memory_space<hbm>>
        tpu.wait_dma2 semaphore(%arg12 : memref<!tpu.dma_semaphore, #tpu.memory_space<semaphore_mem>>) src(%dma_wait3A_1524 : memref<256x128xf32, #tpu.memory_space<hbm>>) dst(%arg9 : memref<256x128xf32, #tpu.memory_space<vmem>>)
        %dma_start3A_1525 = arith.constant 2 : i32
        %dma_start3A_1526 = arith.constant 0 : i32
        %dma_start3A_1527 = arith.constant 0 : i32
        %dma_start3A_1528 = tpu.memref_slice %arg9[%dma_start3A_1526, %dma_start3A_1527] : memref<256x128xf32, #tpu.memory_space<vmem>> -> memref<128x128xf32, #tpu.memory_space<vmem>>
        %dma_start3A_1529 = arith.constant 0 : i32
        %dma_start3A_1530 = tpu.memref_slice %arg7[%dma_start3A_1525, %dma_start3A_1529] : memref<8x128xi32, #tpu.memory_space<vmem>> -> memref<1x128xi32, #tpu.memory_space<vmem>>
        %dma_start3A_1531 = tpu.memref_squeeze %dma_start3A_1530 : memref<1x128xi32, #tpu.memory_space<vmem>> -> memref<128xi32, #tpu.memory_space<vmem>>
        %dma_start3A_1532 = arith.constant 0 : i32
        %dma_start3A_1533 = arith.constant 0 : i32
        %dma_start3A_1534 = tpu.memref_slice %arg15[%dma_start3A_1532, %dma_start3A_1533] : memref<5632x128xf32, #tpu.memory_space<vmem_shared>> -> memref<5632x128xf32, #tpu.memory_space<vmem_shared>>
        tpu.enqueue_indirect_dma source(%dma_start3A_1528 : memref<128x128xf32, #tpu.memory_space<vmem>>) target(%dma_start3A_1534 : memref<5632x128xf32, #tpu.memory_space<vmem_shared>>) offsets(%dma_start3A_1531 : memref<128xi32, #tpu.memory_space<vmem>>) semaphore(%arg14 : memref<!tpu.dma_semaphore, #tpu.memory_space<semaphore_mem>>) {add = true}
        %dma_start3A_1535 = arith.constant 3 : i32
        %dma_start3A_1536 = arith.constant 128 : i32
        %dma_start3A_1537 = arith.constant 0 : i32
        %dma_start3A_1538 = tpu.memref_slice %arg9[%dma_start3A_1536, %dma_start3A_1537] : memref<256x128xf32, #tpu.memory_space<vmem>> -> memref<128x128xf32, #tpu.memory_space<vmem>>
        %dma_start3A_1539 = arith.constant 0 : i32
        %dma_start3A_1540 = tpu.memref_slice %arg7[%dma_start3A_1535, %dma_start3A_1539] : memref<8x128xi32, #tpu.memory_space<vmem>> -> memref<1x128xi32, #tpu.memory_space<vmem>>
        %dma_start3A_1541 = tpu.memref_squeeze %dma_start3A_1540 : memref<1x128xi32, #tpu.memory_space<vmem>> -> memref<128xi32, #tpu.memory_space<vmem>>
        %dma_start3A_1542 = arith.constant 0 : i32
        %dma_start3A_1543 = arith.constant 0 : i32
        %dma_start3A_1544 = tpu.memref_slice %arg15[%dma_start3A_1542, %dma_start3A_1543] : memref<5632x128xf32, #tpu.memory_space<vmem_shared>> -> memref<5632x128xf32, #tpu.memory_space<vmem_shared>>
        tpu.enqueue_indirect_dma source(%dma_start3A_1538 : memref<128x128xf32, #tpu.memory_space<vmem>>) target(%dma_start3A_1544 : memref<5632x128xf32, #tpu.memory_space<vmem_shared>>) offsets(%dma_start3A_1541 : memref<128xi32, #tpu.memory_space<vmem>>) semaphore(%arg14 : memref<!tpu.dma_semaphore, #tpu.memory_space<semaphore_mem>>) {add = true}
        %dma_wait3A_1545 = arith.constant 2 : i32
        %dma_wait3A_1546 = arith.constant 0 : i32
        %dma_wait3A_1547 = arith.constant 0 : i32
        %dma_wait3A_1548 = tpu.memref_slice %arg9[%dma_wait3A_1546, %dma_wait3A_1547] : memref<256x128xf32, #tpu.memory_space<vmem>> -> memref<128x128xf32, #tpu.memory_space<vmem>>
        %dma_wait3A_1549 = arith.constant 0 : i32
        %dma_wait3A_1550 = tpu.memref_slice %arg7[%dma_wait3A_1545, %dma_wait3A_1549] : memref<8x128xi32, #tpu.memory_space<vmem>> -> memref<1x128xi32, #tpu.memory_space<vmem>>
        %dma_wait3A_1551 = tpu.memref_squeeze %dma_wait3A_1550 : memref<1x128xi32, #tpu.memory_space<vmem>> -> memref<128xi32, #tpu.memory_space<vmem>>
        %dma_wait3A_1552 = arith.constant 0 : i32
        %dma_wait3A_1553 = arith.constant 0 : i32
        %dma_wait3A_1554 = tpu.memref_slice %arg15[%dma_wait3A_1552, %dma_wait3A_1553] : memref<5632x128xf32, #tpu.memory_space<vmem_shared>> -> memref<5632x128xf32, #tpu.memory_space<vmem_shared>>
        tpu.wait_indirect_dma semaphore(%arg14 : memref<!tpu.dma_semaphore, #tpu.memory_space<semaphore_mem>>) src(%dma_wait3A_1548 : memref<128x128xf32, #tpu.memory_space<vmem>>) dst(%dma_wait3A_1554 : memref<5632x128xf32, #tpu.memory_space<vmem_shared>>)
        %dma_wait3A_1555 = arith.constant 3 : i32
        %dma_wait3A_1556 = arith.constant 128 : i32
        %dma_wait3A_1557 = arith.constant 0 : i32
        %dma_wait3A_1558 = tpu.memref_slice %arg9[%dma_wait3A_1556, %dma_wait3A_1557] : memref<256x128xf32, #tpu.memory_space<vmem>> -> memref<128x128xf32, #tpu.memory_space<vmem>>
        %dma_wait3A_1559 = arith.constant 0 : i32
        %dma_wait3A_1560 = tpu.memref_slice %arg7[%dma_wait3A_1555, %dma_wait3A_1559] : memref<8x128xi32, #tpu.memory_space<vmem>> -> memref<1x128xi32, #tpu.memory_space<vmem>>
        %dma_wait3A_1561 = tpu.memref_squeeze %dma_wait3A_1560 : memref<1x128xi32, #tpu.memory_space<vmem>> -> memref<128xi32, #tpu.memory_space<vmem>>
        %dma_wait3A_1562 = arith.constant 0 : i32
        %dma_wait3A_1563 = arith.constant 0 : i32
        %dma_wait3A_1564 = tpu.memref_slice %arg15[%dma_wait3A_1562, %dma_wait3A_1563] : memref<5632x128xf32, #tpu.memory_space<vmem_shared>> -> memref<5632x128xf32, #tpu.memory_space<vmem_shared>>
        tpu.wait_indirect_dma semaphore(%arg14 : memref<!tpu.dma_semaphore, #tpu.memory_space<semaphore_mem>>) src(%dma_wait3A_1558 : memref<128x128xf32, #tpu.memory_space<vmem>>) dst(%dma_wait3A_1564 : memref<5632x128xf32, #tpu.memory_space<vmem_shared>>)
        %mul3A_1565 = arith.constant 1024 : i32
        %mul3A_1566 = arith.muli %add3A_20, %mul3A_1565 : i32
        %add3A_1567 = arith.constant 768 : i32
        %add3A_1568 = arith.addi %mul3A_1566, %add3A_1567 : i32
        %dma_start3A_1569 = arith.constant 0 : i32
        %dma_start3A_1570 = tpu.memref_slice %arg2[%add3A_1568, %dma_start3A_1569] : memref<327680x128xf32, #tpu.memory_space<hbm>> -> memref<256x128xf32, #tpu.memory_space<hbm>>
        %dma_start3A_1571 = arith.constant 0 : i32
        %dma_start3A_1572 = tpu.memref_slice %arg2[%add3A_1568, %dma_start3A_1571] : memref<327680x128xf32, #tpu.memory_space<hbm>> -> memref<256x128xf32, #tpu.memory_space<hbm>>
        tpu.enqueue_dma source(%dma_start3A_1572 : memref<256x128xf32, #tpu.memory_space<hbm>>) target(%arg9 : memref<256x128xf32, #tpu.memory_space<vmem>>) target_semaphore(%arg12 : memref<!tpu.dma_semaphore, #tpu.memory_space<semaphore_mem>>)
        %dma_wait3A_1573 = arith.constant 0 : i32
        %dma_wait3A_1574 = tpu.memref_slice %arg2[%add3A_1516, %dma_wait3A_1573] : memref<327680x128xf32, #tpu.memory_space<hbm>> -> memref<256x128xf32, #tpu.memory_space<hbm>>
        %dma_wait3A_1575 = arith.constant 0 : i32
        %dma_wait3A_1576 = tpu.memref_slice %arg2[%add3A_1516, %dma_wait3A_1575] : memref<327680x128xf32, #tpu.memory_space<hbm>> -> memref<256x128xf32, #tpu.memory_space<hbm>>
        tpu.wait_dma2 semaphore(%arg11 : memref<!tpu.dma_semaphore, #tpu.memory_space<semaphore_mem>>) src(%dma_wait3A_1576 : memref<256x128xf32, #tpu.memory_space<hbm>>) dst(%arg8 : memref<256x128xf32, #tpu.memory_space<vmem>>)
        %dma_start3A_1577 = arith.constant 4 : i32
        %dma_start3A_1578 = arith.constant 0 : i32
        %dma_start3A_1579 = arith.constant 0 : i32
        %dma_start3A_1580 = tpu.memref_slice %arg8[%dma_start3A_1578, %dma_start3A_1579] : memref<256x128xf32, #tpu.memory_space<vmem>> -> memref<128x128xf32, #tpu.memory_space<vmem>>
        %dma_start3A_1581 = arith.constant 0 : i32
        %dma_start3A_1582 = tpu.memref_slice %arg7[%dma_start3A_1577, %dma_start3A_1581] : memref<8x128xi32, #tpu.memory_space<vmem>> -> memref<1x128xi32, #tpu.memory_space<vmem>>
        %dma_start3A_1583 = tpu.memref_squeeze %dma_start3A_1582 : memref<1x128xi32, #tpu.memory_space<vmem>> -> memref<128xi32, #tpu.memory_space<vmem>>
        %dma_start3A_1584 = arith.constant 0 : i32
        %dma_start3A_1585 = arith.constant 0 : i32
        %dma_start3A_1586 = tpu.memref_slice %arg15[%dma_start3A_1584, %dma_start3A_1585] : memref<5632x128xf32, #tpu.memory_space<vmem_shared>> -> memref<5632x128xf32, #tpu.memory_space<vmem_shared>>
        tpu.enqueue_indirect_dma source(%dma_start3A_1580 : memref<128x128xf32, #tpu.memory_space<vmem>>) target(%dma_start3A_1586 : memref<5632x128xf32, #tpu.memory_space<vmem_shared>>) offsets(%dma_start3A_1583 : memref<128xi32, #tpu.memory_space<vmem>>) semaphore(%arg13 : memref<!tpu.dma_semaphore, #tpu.memory_space<semaphore_mem>>) {add = true}
        %dma_start3A_1587 = arith.constant 5 : i32
        %dma_start3A_1588 = arith.constant 128 : i32
        %dma_start3A_1589 = arith.constant 0 : i32
        %dma_start3A_1590 = tpu.memref_slice %arg8[%dma_start3A_1588, %dma_start3A_1589] : memref<256x128xf32, #tpu.memory_space<vmem>> -> memref<128x128xf32, #tpu.memory_space<vmem>>
        %dma_start3A_1591 = arith.constant 0 : i32
        %dma_start3A_1592 = tpu.memref_slice %arg7[%dma_start3A_1587, %dma_start3A_1591] : memref<8x128xi32, #tpu.memory_space<vmem>> -> memref<1x128xi32, #tpu.memory_space<vmem>>
        %dma_start3A_1593 = tpu.memref_squeeze %dma_start3A_1592 : memref<1x128xi32, #tpu.memory_space<vmem>> -> memref<128xi32, #tpu.memory_space<vmem>>
        %dma_start3A_1594 = arith.constant 0 : i32
        %dma_start3A_1595 = arith.constant 0 : i32
        %dma_start3A_1596 = tpu.memref_slice %arg15[%dma_start3A_1594, %dma_start3A_1595] : memref<5632x128xf32, #tpu.memory_space<vmem_shared>> -> memref<5632x128xf32, #tpu.memory_space<vmem_shared>>
        tpu.enqueue_indirect_dma source(%dma_start3A_1590 : memref<128x128xf32, #tpu.memory_space<vmem>>) target(%dma_start3A_1596 : memref<5632x128xf32, #tpu.memory_space<vmem_shared>>) offsets(%dma_start3A_1593 : memref<128xi32, #tpu.memory_space<vmem>>) semaphore(%arg13 : memref<!tpu.dma_semaphore, #tpu.memory_space<semaphore_mem>>) {add = true}
        %dma_wait3A_1597 = arith.constant 0 : i32
        %dma_wait3A_1598 = tpu.memref_slice %arg2[%add3A_1568, %dma_wait3A_1597] : memref<327680x128xf32, #tpu.memory_space<hbm>> -> memref<256x128xf32, #tpu.memory_space<hbm>>
        %dma_wait3A_1599 = arith.constant 0 : i32
        %dma_wait3A_1600 = tpu.memref_slice %arg2[%add3A_1568, %dma_wait3A_1599] : memref<327680x128xf32, #tpu.memory_space<hbm>> -> memref<256x128xf32, #tpu.memory_space<hbm>>
        tpu.wait_dma2 semaphore(%arg12 : memref<!tpu.dma_semaphore, #tpu.memory_space<semaphore_mem>>) src(%dma_wait3A_1600 : memref<256x128xf32, #tpu.memory_space<hbm>>) dst(%arg9 : memref<256x128xf32, #tpu.memory_space<vmem>>)
        %dma_start3A_1601 = arith.constant 6 : i32
        %dma_start3A_1602 = arith.constant 0 : i32
        %dma_start3A_1603 = arith.constant 0 : i32
        %dma_start3A_1604 = tpu.memref_slice %arg9[%dma_start3A_1602, %dma_start3A_1603] : memref<256x128xf32, #tpu.memory_space<vmem>> -> memref<128x128xf32, #tpu.memory_space<vmem>>
        %dma_start3A_1605 = arith.constant 0 : i32
        %dma_start3A_1606 = tpu.memref_slice %arg7[%dma_start3A_1601, %dma_start3A_1605] : memref<8x128xi32, #tpu.memory_space<vmem>> -> memref<1x128xi32, #tpu.memory_space<vmem>>
        %dma_start3A_1607 = tpu.memref_squeeze %dma_start3A_1606 : memref<1x128xi32, #tpu.memory_space<vmem>> -> memref<128xi32, #tpu.memory_space<vmem>>
        %dma_start3A_1608 = arith.constant 0 : i32
        %dma_start3A_1609 = arith.constant 0 : i32
        %dma_start3A_1610 = tpu.memref_slice %arg15[%dma_start3A_1608, %dma_start3A_1609] : memref<5632x128xf32, #tpu.memory_space<vmem_shared>> -> memref<5632x128xf32, #tpu.memory_space<vmem_shared>>
        tpu.enqueue_indirect_dma source(%dma_start3A_1604 : memref<128x128xf32, #tpu.memory_space<vmem>>) target(%dma_start3A_1610 : memref<5632x128xf32, #tpu.memory_space<vmem_shared>>) offsets(%dma_start3A_1607 : memref<128xi32, #tpu.memory_space<vmem>>) semaphore(%arg14 : memref<!tpu.dma_semaphore, #tpu.memory_space<semaphore_mem>>) {add = true}
        %dma_start3A_1611 = arith.constant 7 : i32
        %dma_start3A_1612 = arith.constant 128 : i32
        %dma_start3A_1613 = arith.constant 0 : i32
        %dma_start3A_1614 = tpu.memref_slice %arg9[%dma_start3A_1612, %dma_start3A_1613] : memref<256x128xf32, #tpu.memory_space<vmem>> -> memref<128x128xf32, #tpu.memory_space<vmem>>
        %dma_start3A_1615 = arith.constant 0 : i32
        %dma_start3A_1616 = tpu.memref_slice %arg7[%dma_start3A_1611, %dma_start3A_1615] : memref<8x128xi32, #tpu.memory_space<vmem>> -> memref<1x128xi32, #tpu.memory_space<vmem>>
        %dma_start3A_1617 = tpu.memref_squeeze %dma_start3A_1616 : memref<1x128xi32, #tpu.memory_space<vmem>> -> memref<128xi32, #tpu.memory_space<vmem>>
        %dma_start3A_1618 = arith.constant 0 : i32
        %dma_start3A_1619 = arith.constant 0 : i32
        %dma_start3A_1620 = tpu.memref_slice %arg15[%dma_start3A_1618, %dma_start3A_1619] : memref<5632x128xf32, #tpu.memory_space<vmem_shared>> -> memref<5632x128xf32, #tpu.memory_space<vmem_shared>>
        tpu.enqueue_indirect_dma source(%dma_start3A_1614 : memref<128x128xf32, #tpu.memory_space<vmem>>) target(%dma_start3A_1620 : memref<5632x128xf32, #tpu.memory_space<vmem_shared>>) offsets(%dma_start3A_1617 : memref<128xi32, #tpu.memory_space<vmem>>) semaphore(%arg14 : memref<!tpu.dma_semaphore, #tpu.memory_space<semaphore_mem>>) {add = true}
        %dma_wait3A_1621 = arith.constant 4 : i32
        %dma_wait3A_1622 = arith.constant 0 : i32
        %dma_wait3A_1623 = arith.constant 0 : i32
        %dma_wait3A_1624 = tpu.memref_slice %arg8[%dma_wait3A_1622, %dma_wait3A_1623] : memref<256x128xf32, #tpu.memory_space<vmem>> -> memref<128x128xf32, #tpu.memory_space<vmem>>
        %dma_wait3A_1625 = arith.constant 0 : i32
        %dma_wait3A_1626 = tpu.memref_slice %arg7[%dma_wait3A_1621, %dma_wait3A_1625] : memref<8x128xi32, #tpu.memory_space<vmem>> -> memref<1x128xi32, #tpu.memory_space<vmem>>
        %dma_wait3A_1627 = tpu.memref_squeeze %dma_wait3A_1626 : memref<1x128xi32, #tpu.memory_space<vmem>> -> memref<128xi32, #tpu.memory_space<vmem>>
        %dma_wait3A_1628 = arith.constant 0 : i32
        %dma_wait3A_1629 = arith.constant 0 : i32
        %dma_wait3A_1630 = tpu.memref_slice %arg15[%dma_wait3A_1628, %dma_wait3A_1629] : memref<5632x128xf32, #tpu.memory_space<vmem_shared>> -> memref<5632x128xf32, #tpu.memory_space<vmem_shared>>
        tpu.wait_indirect_dma semaphore(%arg13 : memref<!tpu.dma_semaphore, #tpu.memory_space<semaphore_mem>>) src(%dma_wait3A_1624 : memref<128x128xf32, #tpu.memory_space<vmem>>) dst(%dma_wait3A_1630 : memref<5632x128xf32, #tpu.memory_space<vmem_shared>>)
        %dma_wait3A_1631 = arith.constant 5 : i32
        %dma_wait3A_1632 = arith.constant 128 : i32
        %dma_wait3A_1633 = arith.constant 0 : i32
        %dma_wait3A_1634 = tpu.memref_slice %arg8[%dma_wait3A_1632, %dma_wait3A_1633] : memref<256x128xf32, #tpu.memory_space<vmem>> -> memref<128x128xf32, #tpu.memory_space<vmem>>
        %dma_wait3A_1635 = arith.constant 0 : i32
        %dma_wait3A_1636 = tpu.memref_slice %arg7[%dma_wait3A_1631, %dma_wait3A_1635] : memref<8x128xi32, #tpu.memory_space<vmem>> -> memref<1x128xi32, #tpu.memory_space<vmem>>
        %dma_wait3A_1637 = tpu.memref_squeeze %dma_wait3A_1636 : memref<1x128xi32, #tpu.memory_space<vmem>> -> memref<128xi32, #tpu.memory_space<vmem>>
        %dma_wait3A_1638 = arith.constant 0 : i32
        %dma_wait3A_1639 = arith.constant 0 : i32
        %dma_wait3A_1640 = tpu.memref_slice %arg15[%dma_wait3A_1638, %dma_wait3A_1639] : memref<5632x128xf32, #tpu.memory_space<vmem_shared>> -> memref<5632x128xf32, #tpu.memory_space<vmem_shared>>
        tpu.wait_indirect_dma semaphore(%arg13 : memref<!tpu.dma_semaphore, #tpu.memory_space<semaphore_mem>>) src(%dma_wait3A_1634 : memref<128x128xf32, #tpu.memory_space<vmem>>) dst(%dma_wait3A_1640 : memref<5632x128xf32, #tpu.memory_space<vmem_shared>>)
        %dma_wait3A_1641 = arith.constant 6 : i32
        %dma_wait3A_1642 = arith.constant 0 : i32
        %dma_wait3A_1643 = arith.constant 0 : i32
        %dma_wait3A_1644 = tpu.memref_slice %arg9[%dma_wait3A_1642, %dma_wait3A_1643] : memref<256x128xf32, #tpu.memory_space<vmem>> -> memref<128x128xf32, #tpu.memory_space<vmem>>
        %dma_wait3A_1645 = arith.constant 0 : i32
        %dma_wait3A_1646 = tpu.memref_slice %arg7[%dma_wait3A_1641, %dma_wait3A_1645] : memref<8x128xi32, #tpu.memory_space<vmem>> -> memref<1x128xi32, #tpu.memory_space<vmem>>
        %dma_wait3A_1647 = tpu.memref_squeeze %dma_wait3A_1646 : memref<1x128xi32, #tpu.memory_space<vmem>> -> memref<128xi32, #tpu.memory_space<vmem>>
        %dma_wait3A_1648 = arith.constant 0 : i32
        %dma_wait3A_1649 = arith.constant 0 : i32
        %dma_wait3A_1650 = tpu.memref_slice %arg15[%dma_wait3A_1648, %dma_wait3A_1649] : memref<5632x128xf32, #tpu.memory_space<vmem_shared>> -> memref<5632x128xf32, #tpu.memory_space<vmem_shared>>
        tpu.wait_indirect_dma semaphore(%arg14 : memref<!tpu.dma_semaphore, #tpu.memory_space<semaphore_mem>>) src(%dma_wait3A_1644 : memref<128x128xf32, #tpu.memory_space<vmem>>) dst(%dma_wait3A_1650 : memref<5632x128xf32, #tpu.memory_space<vmem_shared>>)
        %dma_wait3A_1651 = arith.constant 7 : i32
        %dma_wait3A_1652 = arith.constant 128 : i32
        %dma_wait3A_1653 = arith.constant 0 : i32
        %dma_wait3A_1654 = tpu.memref_slice %arg9[%dma_wait3A_1652, %dma_wait3A_1653] : memref<256x128xf32, #tpu.memory_space<vmem>> -> memref<128x128xf32, #tpu.memory_space<vmem>>
        %dma_wait3A_1655 = arith.constant 0 : i32
        %dma_wait3A_1656 = tpu.memref_slice %arg7[%dma_wait3A_1651, %dma_wait3A_1655] : memref<8x128xi32, #tpu.memory_space<vmem>> -> memref<1x128xi32, #tpu.memory_space<vmem>>
        %dma_wait3A_1657 = tpu.memref_squeeze %dma_wait3A_1656 : memref<1x128xi32, #tpu.memory_space<vmem>> -> memref<128xi32, #tpu.memory_space<vmem>>
        %dma_wait3A_1658 = arith.constant 0 : i32
        %dma_wait3A_1659 = arith.constant 0 : i32
        %dma_wait3A_1660 = tpu.memref_slice %arg15[%dma_wait3A_1658, %dma_wait3A_1659] : memref<5632x128xf32, #tpu.memory_space<vmem_shared>> -> memref<5632x128xf32, #tpu.memory_space<vmem_shared>>
        tpu.wait_indirect_dma semaphore(%arg14 : memref<!tpu.dma_semaphore, #tpu.memory_space<semaphore_mem>>) src(%dma_wait3A_1654 : memref<128x128xf32, #tpu.memory_space<vmem>>) dst(%dma_wait3A_1660 : memref<5632x128xf32, #tpu.memory_space<vmem_shared>>)
      } else {
      }
    }
    %scan3A_7 = arith.constant 20 : i32
    %barrier3A_8 = arith.constant 0 : index
    tpu.barrier barrier_id(%barrier3A_8)
    %lt3A = arith.constant 5 : i32
    %lt3A_9 = arith.cmpi slt, %arg1, %lt3A : i32
    %convert_element_type3A_10 = arith.extui %lt3A_9 : i1 to i32
    %cond3A_11 = arith.constant 0 : i32
    %cond3A_12 = arith.cmpi ne, %convert_element_type3A_10, %cond3A_11 : i32
    scf.if %cond3A_12 {
      %mul3A_13 = arith.constant 1000 : i32
      %mul3A_14 = arith.muli %arg1, %mul3A_13 : i32
      %mul3A_15 = arith.constant 5000 : i32
      %mul3A_16 = arith.muli %arg0, %mul3A_15 : i32
      %mul3A_17 = arith.constant 1000 : i32
      %mul3A_18 = arith.muli %arg1, %mul3A_17 : i32
      %add3A_19 = arith.addi %mul3A_16, %mul3A_18 : i32
      "tpu.region"() ({
        %run_scoped3A = tpu.sem_alloc : memref<!tpu.dma_semaphore, #tpu.memory_space<semaphore_mem>>
        %dma_start3A = arith.constant 0 : i32
        %dma_start3A_20 = tpu.memref_slice %arg6[%add3A_19, %dma_start3A] : memref<10000x128xf32, #tpu.memory_space<hbm>> -> memref<1000x128xf32, #tpu.memory_space<hbm>>
        %dma_start3A_21 = arith.constant 0 : i32
        %dma_start3A_22 = tpu.memref_slice %arg15[%mul3A_14, %dma_start3A_21] : memref<5632x128xf32, #tpu.memory_space<vmem_shared>> -> memref<1000x128xf32, #tpu.memory_space<vmem_shared>>
        tpu.enqueue_dma source(%dma_start3A_22 : memref<1000x128xf32, #tpu.memory_space<vmem_shared>>) target(%dma_start3A_20 : memref<1000x128xf32, #tpu.memory_space<hbm>>) target_semaphore(%run_scoped3A : memref<!tpu.dma_semaphore, #tpu.memory_space<semaphore_mem>>)
        %dma_wait3A = arith.constant 0 : i32
        %dma_wait3A_23 = tpu.memref_slice %arg6[%add3A_19, %dma_wait3A] : memref<10000x128xf32, #tpu.memory_space<hbm>> -> memref<1000x128xf32, #tpu.memory_space<hbm>>
        %dma_wait3A_24 = arith.constant 0 : i32
        %dma_wait3A_25 = tpu.memref_slice %arg15[%mul3A_14, %dma_wait3A_24] : memref<5632x128xf32, #tpu.memory_space<vmem_shared>> -> memref<1000x128xf32, #tpu.memory_space<vmem_shared>>
        tpu.wait_dma2 semaphore(%run_scoped3A : memref<!tpu.dma_semaphore, #tpu.memory_space<semaphore_mem>>) src(%dma_wait3A_25 : memref<1000x128xf32, #tpu.memory_space<vmem_shared>>) dst(%dma_wait3A_23 : memref<1000x128xf32, #tpu.memory_space<hbm>>)
        tpu.yield
      }) : () -> ()
    } else {
    }
    return
  }
}

module attributes {stable_mosaic.version = 14 : i64} {
  func.func @_mlp_body(%arg0: i32, %arg1: memref<2048x128xf32, #tpu.memory_space<vmem>>, %arg2: memref<2048x1xf32, #tpu.memory_space<vmem>>, %arg3: memref<128x128xf32, #tpu.memory_space<vmem>>, %arg4: memref<128x128xf32, #tpu.memory_space<vmem>>, %arg5: memref<128x128xf32, #tpu.memory_space<vmem>>, %arg6: memref<2048x128xf32, #tpu.memory_space<vmem>>) attributes {dimension_semantics = [#tpu.dimension_semantics<arbitrary>], iteration_bounds = array<i64: 160>, scalar_prefetch = 0 : i64, scratch_operands = 0 : i64, tpu.core_type = #tpu.core_type<tc>, window_params = [{transform_indices = @transform_0, window_bounds = array<i64: 2048, 128>}, {transform_indices = @transform_1, window_bounds = array<i64: 2048, 1>}, {pipeline_mode = #tpu.pipeline_mode<synchronous>, transform_indices = @transform_2, window_bounds = array<i64: 128, 128>}, {pipeline_mode = #tpu.pipeline_mode<synchronous>, transform_indices = @transform_3, window_bounds = array<i64: 128, 128>}, {pipeline_mode = #tpu.pipeline_mode<synchronous>, transform_indices = @transform_4, window_bounds = array<i64: 128, 128>}, {transform_indices = @transform_5, window_bounds = array<i64: 2048, 128>}]} {
    %get3A = arith.constant 0 : index
    %get3A_0 = arith.constant 0 : index
    %get3A_1 = vector.load %arg1[%get3A, %get3A_0] : memref<2048x128xf32, #tpu.memory_space<vmem>>, vector<2048x128xf32>
    %convert_element_type3A = arith.truncf %get3A_1 : vector<2048x128xf32> to vector<2048x128xbf16>
    %get3A_2 = arith.constant 0 : index
    %get3A_3 = arith.constant 0 : index
    %get3A_4 = vector.load %arg3[%get3A_2, %get3A_3] : memref<128x128xf32, #tpu.memory_space<vmem>>, vector<128x128xf32>
    %convert_element_type3A_5 = arith.truncf %get3A_4 : vector<128x128xf32> to vector<128x128xbf16>
    %dot_general3A = arith.constant dense<0.000000e+00> : vector<2048x128xf32>
    %dot_general3A_6 = tpu.matmul %convert_element_type3A, %convert_element_type3A_5, %dot_general3A {dimension_numbers = #tpu.dot_dimension_numbers<[1], [0], [0], [1], [0, 0, 1, 1], [], []>, transpose_lhs_hint = false} : vector<2048x128xbf16>, vector<128x128xbf16>, vector<2048x128xf32> -> vector<2048x128xf32>
    %max3A = arith.constant 0.000000e+00 : f32
    %max3A_7 = vector.broadcast %max3A : f32 to vector<2048x128xf32>
    %max3A_8 = arith.maximumf %dot_general3A_6, %max3A_7 : vector<2048x128xf32>
    %convert_element_type3A_9 = arith.truncf %max3A_8 : vector<2048x128xf32> to vector<2048x128xbf16>
    %get3A_10 = arith.constant 0 : index
    %get3A_11 = arith.constant 0 : index
    %get3A_12 = vector.load %arg4[%get3A_10, %get3A_11] : memref<128x128xf32, #tpu.memory_space<vmem>>, vector<128x128xf32>
    %convert_element_type3A_13 = arith.truncf %get3A_12 : vector<128x128xf32> to vector<128x128xbf16>
    %dot_general3A_14 = arith.constant dense<0.000000e+00> : vector<2048x128xf32>
    %dot_general3A_15 = tpu.matmul %convert_element_type3A_9, %convert_element_type3A_13, %dot_general3A_14 {dimension_numbers = #tpu.dot_dimension_numbers<[1], [0], [0], [1], [0, 0, 1, 1], [], []>, transpose_lhs_hint = false} : vector<2048x128xbf16>, vector<128x128xbf16>, vector<2048x128xf32> -> vector<2048x128xf32>
    %max3A_16 = arith.constant 0.000000e+00 : f32
    %max3A_17 = vector.broadcast %max3A_16 : f32 to vector<2048x128xf32>
    %max3A_18 = arith.maximumf %dot_general3A_15, %max3A_17 : vector<2048x128xf32>
    %convert_element_type3A_19 = arith.truncf %max3A_18 : vector<2048x128xf32> to vector<2048x128xbf16>
    %get3A_20 = arith.constant 0 : index
    %get3A_21 = arith.constant 0 : index
    %get3A_22 = vector.load %arg5[%get3A_20, %get3A_21] : memref<128x128xf32, #tpu.memory_space<vmem>>, vector<128x128xf32>
    %convert_element_type3A_23 = arith.truncf %get3A_22 : vector<128x128xf32> to vector<128x128xbf16>
    %dot_general3A_24 = arith.constant dense<0.000000e+00> : vector<2048x128xf32>
    %dot_general3A_25 = tpu.matmul %convert_element_type3A_19, %convert_element_type3A_23, %dot_general3A_24 {dimension_numbers = #tpu.dot_dimension_numbers<[1], [0], [0], [1], [0, 0, 1, 1], [], []>, transpose_lhs_hint = false} : vector<2048x128xbf16>, vector<128x128xbf16>, vector<2048x128xf32> -> vector<2048x128xf32>
    %get3A_26 = arith.constant 0 : index
    %get3A_27 = arith.constant 0 : index
    %get3A_28 = vector.load %arg2[%get3A_26, %get3A_27] : memref<2048x1xf32, #tpu.memory_space<vmem>>, vector<2048x1xf32>
    %mul3A = vector.broadcast %get3A_28 : vector<2048x1xf32> to vector<2048x128xf32>
    %mul3A_29 = arith.mulf %dot_general3A_25, %mul3A : vector<2048x128xf32>
    %mul3A_30 = arith.constant 2048 : i32
    %mul3A_31 = arith.muli %arg0, %mul3A_30 : i32
    %iota3A = tpu.iota {dimensions = array<i32: 0>} : vector<2048x1xi32>
    %add3A = vector.broadcast %mul3A_31 : i32 to vector<2048x1xi32>
    %add3A_32 = arith.addi %add3A, %iota3A : vector<2048x1xi32>
    %lt3A = arith.constant 320000 : i32
    %lt3A_33 = vector.broadcast %lt3A : i32 to vector<2048x1xi32>
    %lt3A_34 = arith.cmpi slt, %add3A_32, %lt3A_33 : vector<2048x1xi32>
    %jit3A = arith.constant 0.000000e+00 : f32
    %broadcast_in_dim3A = vector.shape_cast %lt3A_34 : vector<2048x1xi1> to vector<2048x1xi1>
    %broadcast_in_dim3A_35 = vector.broadcast %broadcast_in_dim3A : vector<2048x1xi1> to vector<2048x128xi1>
    %broadcast_in_dim3A_36 = vector.broadcast %jit3A : f32 to vector<2048x128xf32>
    %select_n3A = arith.select %broadcast_in_dim3A_35, %mul3A_29, %broadcast_in_dim3A_36 : vector<2048x128xi1>, vector<2048x128xf32>
    %swap3A = arith.constant 0 : index
    %swap3A_37 = arith.constant 0 : index
    %swap3A_38 = vector.load %arg6[%swap3A, %swap3A_37] : memref<2048x128xf32, #tpu.memory_space<vmem>>, vector<2048x128xf32>
    tpu.vector_store %arg6[%swap3A, %swap3A_37], %select_n3A {strides = array<i32>} : memref<2048x128xf32, #tpu.memory_space<vmem>>, vector<2048x128xf32>,
    return
  }
  func.func @transform_0(%arg0: i32) -> (i32, i32) {
    %min3A = arith.constant 156 : i32
    %min3A_0 = arith.minsi %arg0, %min3A : i32
    %c0_i32 = arith.constant 0 : i32
    %c0_i32_1 = arith.constant 0 : i32
    return %min3A_0, %c0_i32 : i32, i32
  }
  func.func @transform_1(%arg0: i32) -> (i32, i32) {
    %min3A = arith.constant 156 : i32
    %min3A_0 = arith.minsi %arg0, %min3A : i32
    %c0_i32 = arith.constant 0 : i32
    %c0_i32_1 = arith.constant 0 : i32
    return %min3A_0, %c0_i32 : i32, i32
  }
  func.func @transform_2(%arg0: i32) -> (i32, i32) {
    %c0_i32 = arith.constant 0 : i32
    %c0_i32_0 = arith.constant 0 : i32
    %c0_i32_1 = arith.constant 0 : i32
    return %c0_i32, %c0_i32_0 : i32, i32
  }
  func.func @transform_3(%arg0: i32) -> (i32, i32) {
    %c0_i32 = arith.constant 0 : i32
    %c0_i32_0 = arith.constant 0 : i32
    %c0_i32_1 = arith.constant 0 : i32
    return %c0_i32, %c0_i32_0 : i32, i32
  }
  func.func @transform_4(%arg0: i32) -> (i32, i32) {
    %c0_i32 = arith.constant 0 : i32
    %c0_i32_0 = arith.constant 0 : i32
    %c0_i32_1 = arith.constant 0 : i32
    return %c0_i32, %c0_i32_0 : i32, i32
  }
  func.func @transform_5(%arg0: i32) -> (i32, i32) {
    %c0_i32 = arith.constant 0 : i32
    %c0_i32_0 = arith.constant 0 : i32
    return %arg0, %c0_i32 : i32, i32
  }
}

module attributes {stable_mosaic.version = 14 : i64} {
  func.func @_slice_body(%arg0: memref<10000x128xf32, #tpu.memory_space<vmem>>, %arg1: memref<10000x64xf32, #tpu.memory_space<vmem>>) attributes {dimension_semantics = [], scalar_prefetch = 0 : i64, scratch_operands = 0 : i64, tpu.core_type = #tpu.core_type<tc>} {
    %get3A = arith.constant 0 : index
    %get3A_0 = arith.constant 0 : index
    %get3A_1 = vector.load %arg0[%get3A, %get3A_0] : memref<10000x128xf32, #tpu.memory_space<vmem>>, vector<10000x64xf32>
    %swap3A = arith.constant 0 : index
    %swap3A_2 = arith.constant 0 : index
    %swap3A_3 = vector.load %arg1[%swap3A, %swap3A_2] : memref<10000x64xf32, #tpu.memory_space<vmem>>, vector<10000x64xf32>
    tpu.vector_store %arg1[%swap3A, %swap3A_2], %get3A_1 {strides = array<i32>} : memref<10000x64xf32, #tpu.memory_space<vmem>>, vector<10000x64xf32>,
    return
  }
}

</mosaic_0001>

<sc_bundles>
// kernel: kernel.5.cloned.1.call-start
scs
__scs_entry_jumppad:
0x0: {  	(pc) =	sbr.rel $0x88, $3  }
0x1: {  	(tag) =	ssettag $0x0;
	lr =	simm.s32 $0x1  }
0x2: {  	[smem:$0x3F9B] =	sst lr;
	_ =	strace $0xD0000000  }
0x3: {  	_ = 	snop  }
0x4: {  	_ = 	snop  }
0x5: {  	_ = 	snop  }
0x6: {  	_ = 	snop  }
0x7: {  	_ = 	snop  }
__scs_overlays_trampoline_lowered:
0x8: {  	[smem:$0x3FAA] =	sst s0  }
0x9: {  	[smem:$0x3FAB] =	sst s1  }
0xa: {  	[smem:$0x3FAC] =	sst s2  }
0xb: {  	[smem:$0x3FAD] =	sst s3  }
0xc: {  	[smem:$0x3FAE] =	sst s4  }
0xd: {  	[smem:$0x3FAF] =	sst s5  }
0xe: {  	[smem:$0x3FB0] =	sst s6  }
0xf: {  	[smem:$0x3FB1] =	sst s7  }
0x10: {  	[smem:$0x3FB2] =	sst s8  }
0x11: {  	[smem:$0x3FB3] =	sst s9;
	s0 =	simm.s32 @!p0 $0x0  }
0x12: {  	s1 =	sld [smem:$0x3F99];
	s0 =	simm.s32 @p0 $0x1  }
0x13: {  	[smem:$0x3FB4] =	sst s0;
	s0 =	simm.s32 @!p1 $0x0  }
0x14: {  	s2 =	sld [smem:$0x3F98];
	s0 =	simm.s32 @p1 $0x1  }
0x15: {  	[smem:$0x3FB5] =	sst s0;
	s0 =	simm.s32 @!p2 $0x0  }
0x16: {  	s3 =	sld [smem:$0x3FDB];
	s0 =	simm.s32 @p2 $0x1  }
0x17: {  	s4 =	simm.s32 $0x1BF5;
	[smem:$0x3FB7] =	sst s0  }
0x18: {  	s0 =	sld [smem:$0x3F9A];
	_ =	swait.ge [sflag:s4], $0x0  }
0x19: {  	s7 =	sld [smem:$0x3F9B]  }
0x1a: {  	s8 =	sadd.s32 $0xFFFFE003, lr  }
0x1b: {  	s9 =	sadd.s32 $0xFFFFFEF7, lr;
	s5 =	simm.s32 $0xFFFFFFFF;
	p2 =	slt.u32 s8, $0xFFFFF086  }
0x1c: {  	p1 =	slt.u32 s9, $0xF7A;
	s5 =	simm.s32 @!p2 $0x0  }
0x1d: {  	s5 =	simm.s32 @p1 $0x1;
	p0 =	seq.s32 s7, s2  }
0x1e: {  	s7 =	smul.u32 @!p0 $0xF7A, s2;
	p2 =	seq.s32 @!p0 s5, $0x0  }
0x1f: {  	s9 =	smul.u32 $0xF7A, s1;
	s8 =	simm.s32 @!p0 $0x1BF5;
	p2 =	por !p2, p0  }
0x20: {  	[sflag:s8] =	ssyncset.s32 @!p0 $0xFFFFF086;
	s6 =	sadd.s32 @!p0 s3, s7;
	s7 =	simm.s32 @!p0 $0x108  }
0x21: {  	s3 =	sadd.s32 s3, s9;
	s6 =	sadd.s32 @!p0 $0x88, s6;
	s7 =	simm.s32 @p2 $0x1082  }
0x22: {  	[simem:s7], [sflag:s8] =	dma.local @!p0 [hbm:s6], $0xF7A  }
0x23: {  	s9 =	sor.u32 $0xD0000000, s2;
	s6 =	simm.s32 $0x108;
	_ =	swait.ge @!p0 [sflag:s8], $0x0  }
0x24: {  	s3 =	sadd.s32 $0x88, s3;
	s6 =	simm.s32 @!p1 $0x1082;
	[sflag:s4] =	ssyncset.s32 $0xFFFFF086  }
0x25: {  	[simem:s6], [sflag:s4] =	dma.local [hbm:s3], $0xF7A  }
0x26: {  	[smem:$0x3F9B] =	sst s1;
	(tag) =	ssettag s2;
	_ =	strace s9  }
0x27: {  	s1 =	sld [smem:$0x3FAB]  }
0x28: {  	s2 =	sld [smem:$0x3FAC]  }
0x29: {  	s4 =	sld [smem:$0x3FAE]  }
0x2a: {  	p0 =	seq.s32 s5, $0x0;
	s5 =	sld [smem:$0x3FAF]  }
0x2b: {  	s6 =	sld [smem:$0x3FB0]  }
0x2c: {  	s7 =	sld [smem:$0x3FB1]  }
0x2d: {  	s3 =	simm.s32 $0x108;
	s8 =	sld [smem:$0x3FB2]  }
0x2e: {  	s3 =	simm.s32 @!p0 $0x1082;
	s9 =	sld [smem:$0x3FB3]  }
0x2f: {  	lr =	sadd.s32 s0, s3;
	s0 =	sld [smem:$0x3FAA]  }
0x30: {  	s3 =	sld [smem:$0x3FAD]  }
0x31: {  	[smem:$0x3FB6] =	sst s10  }
0x32: {  	s10 =	sld [smem:$0x3FB4];
	_ =	sdelay $0x3  }
0x33: {  	p0 =	seq.s32 s10, $0x1;
	s10 =	sld [smem:$0x3FB6];
	_ =	sdelay $0x3  }
0x34: {  	[smem:$0x3FB6] =	sst s10  }
0x35: {  	s10 =	sld [smem:$0x3FB5];
	_ =	sdelay $0x3  }
0x36: {  	p1 =	seq.s32 s10, $0x1;
	s10 =	sld [smem:$0x3FB6];
	_ =	sdelay $0x3  }
0x37: {  	[smem:$0x3FB6] =	sst s10  }
0x38: {  	s10 =	sld [smem:$0x3FB7]  }
0x39: {  	_ = 	snop;
	(pc) =	sbr.ind lr, $3  }
0x3a: {  	_ = 	snop  }
0x3b: {  	_ = 	snop  }
0x3c: {  	p2 =	seq.s32 s10, $0x1;
	s10 =	sld [smem:$0x3FB6]  }
0x3d: {  	_ =	shalt  }
0x3e: {  	_ =	shalt  }
0x3f: {  	_ =	shalt  }
0x40: {  	_ =	shalt  }
0x41: {  	_ =	shalt  }
0x42: {  	_ =	shalt  }
0x43: {  	_ =	shalt  }
0x44: {  	_ =	shalt  }
0x45: {  	_ =	shalt  }
0x46: {  	_ =	shalt  }
0x47: {  	_ =	shalt  }
0x48: {  	_ =	shalt  }
0x49: {  	_ =	shalt  }
0x4a: {  	_ =	shalt  }
0x4b: {  	_ =	shalt  }
0x4c: {  	_ =	shalt  }
0x4d: {  	_ =	shalt  }
0x4e: {  	_ =	shalt  }
0x4f: {  	_ =	shalt  }
0x50: {  	_ =	shalt  }
0x51: {  	_ =	shalt  }
0x52: {  	_ =	shalt  }
0x53: {  	_ =	shalt  }
0x54: {  	_ =	shalt  }
0x55: {  	_ =	shalt  }
0x56: {  	_ =	shalt  }
0x57: {  	_ =	shalt  }
0x58: {  	_ =	shalt  }
0x59: {  	_ =	shalt  }
0x5a: {  	_ =	shalt  }
0x5b: {  	_ =	shalt  }
0x5c: {  	_ =	shalt  }
0x5d: {  	_ =	shalt  }
0x5e: {  	_ =	shalt  }
0x5f: {  	_ =	shalt  }
0x60: {  	_ =	shalt  }
0x61: {  	_ =	shalt  }
0x62: {  	_ =	shalt  }
0x63: {  	_ =	shalt  }
0x64: {  	_ =	shalt  }
0x65: {  	_ =	shalt  }
0x66: {  	_ =	shalt  }
0x67: {  	_ =	shalt  }
0x68: {  	_ =	shalt  }
0x69: {  	_ =	shalt  }
0x6a: {  	_ =	shalt  }
0x6b: {  	_ =	shalt  }
0x6c: {  	_ =	shalt  }
0x6d: {  	_ =	shalt  }
0x6e: {  	_ =	shalt  }
0x6f: {  	_ =	shalt  }
0x70: {  	_ =	shalt  }
0x71: {  	_ =	shalt  }
0x72: {  	_ =	shalt  }
0x73: {  	_ =	shalt  }
0x74: {  	_ =	shalt  }
0x75: {  	_ =	shalt  }
0x76: {  	_ =	shalt  }
0x77: {  	_ =	shalt  }
0x78: {  	_ =	shalt  }
0x79: {  	_ =	shalt  }
0x7a: {  	_ =	shalt  }
0x7b: {  	_ =	shalt  }
0x7c: {  	_ =	shalt  }
0x7d: {  	_ =	shalt  }
0x7e: {  	_ =	shalt  }
0x7f: {  	_ =	shalt  }
0x80: {  	_ =	shalt  }
0x81: {  	_ =	shalt  }
0x82: {  	_ =	shalt  }
0x83: {  	_ =	shalt  }
0x84: {  	_ =	shalt  }
0x85: {  	_ =	shalt  }
0x86: {  	_ =	shalt  }
0x87: {  	_ =	shalt  }
.Lfunc_end0:
.L_simem_size_0:
called_computation_lowered:
.L_overlay_start_0:
0x88: {  	s2 =	sld [smem:$0x3FD9]  }
0x89: {  	s3 =	sld [smem:$0x3FFE];
	_ =	sdelay $0x1  }
0x8a: {  	s1 =	srdreg.scid  }
0x8b: {  	s0 =	sand.u32 $0x1, s1  }
0x8c: {  	s17 =	sshll.u32 s0, $0xA;
	s2 =	sadd.s32 s3, s2  }
0x8d: {  	s2 =	sadd.s32 s2, s17  }
0x8e: {  	[smem:$0x3FC2] =	sst s2  }
0x8f: {  	_ = 	snop  }
0x90: {  	s2 =	sld [smem:$0x3FD0];
	(tm) =	ssettm $0x1  }
0x91: {  	s18 =	sld [smem:$0x3FFB];
	_ =	sdelay $0x3  }
0x92: {  	_ =	strace s18  }
0x93: {  	s3 =	sld [smem:$0x3FFC];
	_ =	sdelay $0x3  }
0x94: {  	_ =	strace s3  }
0x95: {  	s3 =	sld [smem:$0x3FFD];
	_ =	sdelay $0x3  }
0x96: {  	_ =	strace s3  }
0x97: {  	_ =	strace $0x8FFFFFFF  }
0x98: {  	s19 =	sld [smem:$0x3FDB];
	_ =	sdelay $0x1  }
0x99: {  	s4 =	simm.s32 $_scs_section_size  }
0x9a: {  	s5 =	simm.s32 $_size__tile_overlayer_lowered;
	s6 =	simm.s32 $_tile_overlayer_lowered  }
0x9b: {  	s22 =	simm.s32 $0x1BFF;
	s21 =	sshll.u32 s6, $0x1;
	s3 =	sadd.s32 s4, s19  }
0x9c: {  	s7 =	simm.s32 $0x0;
	s20 =	sshll.u32 s5, $0x1;
	s5 =	sadd.s32 s21, s3  }
0x9d: {  	[timem:s7], [sflag:s22] =	dma.local [hbm:s5], s20  }
0x9e: {  	_ =	swait.ge [sflag:s22], s20  }
0x9f: {  	s4 =	ssub.s32 $0x0, s20;
	[sflag:s22] =	ssyncset.done $0x0  }
0xa0: {  	[sflag:s22] =	ssyncadd.s32 s4;
	_ =	sdelay $0x1  }
0xa1: {  	s23 =	simm.s32 $0x1B8B  }
0xa2: {  	_ =	swait.ge [sflag:s23], $0x1  }
0xa3: {  	[sflag:s23] =	ssyncset.done $0x0  }
0xa4: {  	s25 =	simm.s32 $0x1B8E;
	s24 =	sld [smem:$0x3FFE];
	[sflag:s23] =	ssyncadd.s32 $0xFFFFFFFF  }
0xa5: {  	s26 =	simm.s32 $execute0_lowered;
	[smem:$0x3FD2] =	sst s25  }
0xa6: {  	s5 =	sshll.u32 s26, $0x1;
	_ =	strace $0x80000046;
	[dreg:$0x1] =	wrdreg $0xFFFFFFFF  }
0xa7: {  	s28 =	simm.s32 $_size_execute0_lowered;
	s3 =	sadd.s32 s3, s5;
	[dreg:$0x0] =	wrdreg $0x0  }
0xa8: {  	s5 =	sshll.u32 s28, $0x1;
	[dreg:$0x2] =	wrdreg s3  }
0xa9: {  	[dreg:$0x3] =	wrdreg s5  }
0xaa: {  	[dreg:$0x4] =	wrdreg $0xC0  }
0xab: {  	_ =	task [dreg:s7], $0x5FFFF  }
0xac: {  	[dreg:$0x1] =	wrdreg $0xFFFFFFFF  }
0xad: {  	[dreg:$0x0] =	wrdreg $0x60  }
0xae: {  	[dreg:$0x2] =	wrdreg s24  }
0xaf: {  	[dreg:$0x3] =	wrdreg s2  }
0xb0: {  	[dreg:$0x4] =	wrdreg $0x12C000  }
0xb1: {  	[dreg:$0x5] =	wrdreg $0x9  }
0xb2: {  	_ =	task.clear_ibuf [dreg:s7], $0x6FFFF;
	_ =	strace $0x90000046  }
0xb3: {  	s29 =	simm.s32 $0x9;
	_ =	strace $0x80000048  }
0xb4: {  	_ =	swait.ge [sflag:s29], $0x1  }
0xb5: {  	[sflag:s29] =	ssyncadd.s32 $0xFFFFFFFF  }
0xb6: {  	_ =	strace $0x90000048  }
0xb7: {  	_ =	sfence  }
0xb8: {  	s30 =	sld [smem:$0x0];
	_ =	sdelay $0x2  }
0xb9: {  	s31 =	sshll.u32 s1, $0xD;
	s1 =	sshrl.u32 s1, $0x2  }
0xba: {  	s3 =	sand.u32 $0x4000, s31;
	s1 =	sadd.s32 s1, s30  }
0xbb: {  	s0 =	sor.u32 s3, s0;
	s1 =	sshll.u32 s1, $0x11  }
0xbc: {  	s0 =	sor.u32 s1, s0  }
0xbd: {  	s0 =	sadd.s32 $0x8F2B, s0  }
0xbe: {  	[sflag:s0] =	ssyncadd.remote.s32 $0x1  }
0xbf: {  	_ =	sfence.sel $0xFFFF  }
0xc0: {  	[dreg:$0x0] =	wrdreg $0xFFFFFFFF;
	(pc) =	sbr.abs _section_cstart, $3  }
0xc1: {  	[dreg:$0x1] =	wrdreg $0xFFFFFFFF  }
0xc2: {  	_ =	task.clear_ibuf [dreg:s7], $0x2FFFF;
	_ =	strace $0x9FFFFFFF  }
0xc3: {  	(tm) =	ssettm $0x7FFFFFFF  }
tec
execute0_lowered:
.L_overlay_start_1:
0x0: {  	(tag) =	ssettag $0x1  }
0x1: {  	s0 =	rddreg [dreg:$0x0]  }
0x2: {  	s2 =	rddreg [dreg:$0x1];
	s3 =	srdreg.scid  }
0x3: {  	s1 =	rddreg [dreg:$0x2];
	s16 =	stileid.u32;
	s4 =	simm.s32 $0x0  }
0x4: {  	s15 =	simm.s32 $0x5;
	s17 =	simm.s32 $0x1;
	s18 =	simm.s32 $0x400  }
0x5: {  	s19 =	simm.s32 $0x8400;
	s20 =	simm.s32 $0x80;
	s21 =	simm.s32 $0x4400  }
0x6: {  	s28 =	simm.s32 $0xC400;
	s29 =	simm.s32 $0x4;
	s30 =	simm.s32 $0x200  }
0x7: {  	s31 =	simm.s32 $0x280;
	s6 =	sand.u32 $0x1, s3;
	s7 =	smul.u32 $0x3E8, s16  }
0x8: {  	[smem:$0x7FF] =	sst s4;
	s5 =	sshll.u32 s16, $0xE;
	s8 =	sadd.s32 $0x4E3000, s0  }
0x9: {  	s22 =	sadd.s32 $0x1000, s0;
	s10 =	sshll.u32 s16, $0x5;
	s11 =	smul.u32 $0x7D000, s16  }
0xa: {  	s12 =	sand.u32 $0x3, s16;
	s26 =	sshll.u32 s16, $0x7;
	p0 =	sne.s32 s16, $0x0  }
0xb: {  	p2 =	sgt.u32 s16, $0x4;
	_ =	strace $0x80000047;
	[dreg:$0x4] =	wrdreg s8  }
0xc: {  	s3 =	smul.u32 $0x1388, s6;
	s9 =	sadd.s32 s5, s0;
	[dreg:$0x5] =	wrdreg s22  }
0xd: {  	s6 =	ssub.s32 $0x2, s6;
	s24 =	sand.u32 $0x60, s10;
	p1 =	sne.s32 s12, $0x0  }
0xe: {  	s22 =	simm.s32 $0x3;
	s23 =	sshrl.u32 s6, $0x1;
	s14 =	sor.u32 $0x10400, s24  }
0xf: {  	s25 =	sshrl.u32 s11, $0x2;
	s13 =	sadd.s32 $0x4E3600, s9;
	s7 =	sadd.s32 s7, s3  }
0x10: {  	s6 =	ssub.s32 s6, s23;
	s8 =	sadd.s32 $0x1388, s3;
	s11 =	sadd.s32 s25, s1  }
0x11: {  	s23 =	simm.s32 $0x2;
	s25 =	simm.s32 $0x100;
	v0 =	vmov s14;
	s14 =	simm.s32 $0x380  }
.Ltmp0:
0x12: {  	s7 =	sshll.u32 s7, $0x4;
	s6 =	smax.u32 s6, $0x1;
	(pc) =	sbr.rel .LBB2_1-.Ltmp0, $4  }
0x13: {  	s24 =	sshrl.u32 @!p2 s11, $0x3;
	s0 =	sadd.s32 s7, s0;
	[dreg:$0x7] =	wrdreg s6  }
0x14: {  	s7 =	sadd.s32 s26, s2;
	s6 =	sshrl.u32 s16, $0x2;
	s0 =	sadd.s32 $0x17000, s0  }
0x15: {  	s26 =	simm.s32 $0x180;
	[dreg:$0x6] =	wrdreg s0;
	s0 =	sshrl.u32 @!p0 s1, $0x3  }
0x16: {  	v1 =	vmov s3;
	v2 =	vmov s8;
	s2 =	simm.s32 $0x0;
	[dreg:$0x8] =	wrdreg s0;
	s0 =	simm.s32 $0x300  }
.LBB2_5:
0x17: {  	s9 =	stileid.u32  }
0x18: {  	[bflag:$0x0] =	sbarrier.arrive $0xFFFF;
	s9 =	sshll.u32 @!p2 s9, $0x6  }
0x19: {  	s10 =	rddreg [dreg:$0x6];
	s9 =	sor.u32 @!p2 $0x1C05, s9  }
0x1a: {  	[hbm:s10], [sflag:s9] =	dma.local @!p2 [spmem:s24], $0x3E80  }
0x1b: {  	s9 =	simm.s32 @!p2 $0x5  }
0x1c: {  	_ =	swait.ge @!p2 [sflag:s9], $0x3E80  }
0x1d: {  	s2 =	sadd.s32 $0x1, s2;
	s16 =	rddreg [dreg:$0x7]  }
0x1e: {  	p3 =	sne.s32 s2, s16  }
.Ltmp1:
0x1f: {  	_ = 	snop;
	(pc) =	sbr.rel @!p3 .LBB2_6-.Ltmp1, $3  }
0x20: {  	_ =	sdelay $0x1  }
0x21: {  	[sflag:s9] =	ssyncset.done @!p2 $0x0  }
0x22: {  	[sflag:s9] =	ssyncadd.s32 @!p2 $0xFFFFC180  }
.LBB2_1:
0x23: {  	s9 =	rddreg [dreg:$0x4];
	s10 =	simm.s32 $0x10400  }
0x24: {  	[tilespmem:s10], [sflag:$0x5] =	stream.linear.gather [hbm4b:s9+s4], $0x2800, $0x38;
	[tilespmem:$0x1DC00] =	vst v63  }
0x25: {  	_ =	swait.ge [sflag:s15], $0x2800  }
0x26: {  	[sflag:s15] =	ssyncset.done $0x0;
	s10 =	rddreg [dreg:$0x5]  }
0x27: {  	s9 =	simm.s32 @!p0 $0x1C05;
	s11 =	rddreg [dreg:$0x8];
	[sflag:s15] =	ssyncadd.s32 $0xFFFFD800  }
0x28: {  	[spmem:s11], [sflag:s9] =	dma.local @!p0 [hbm:s10], $0x16000  }
0x29: {  	s9 =	simm.s32 @!p0 $0x5  }
.Ltmp2:
0x2a: {  	_ =	swait.ge @!p0 [sflag:s9], $0x16000;
	(pc) =	sbr.rel .LBB2_2-.Ltmp2, $4  }
0x2b: {  	[sflag:s9] =	ssyncset.done @!p0 $0x0  }
0x2c: {  	[sflag:s9] =	ssyncadd.s32 @!p0 $0xFFFEA000  }
0x2d: {  	[bflag:$0x0] =	sbarrier.arrive $0xFFFF  }
0x2e: {  	s12 =	smov.u32 s6;
	s11 =	smov.u32 s7;
	s9 =	simm.s32 $0x0  }
.LBB2_4:
0x2f: {  	s9 =	sadd.s32 $0x40000, s9  }
0x30: {  	p3 =	sne.s32 s9, $0x500000  }
.Ltmp3:
0x31: {  	_ = 	snop;
	(pc) =	sbr.rel @!p3 .LBB2_5-.Ltmp3, $2  }
0x32: {  	_ =	sdelay $0x2  }
0x33: {  	s11 =	sadd.s32 $0x800, s11;
	s12 =	sadd.s32 $0x4, s12  }
.LBB2_2:
0x34: {  	s10 =	sadd.s32 s9, s5  }
0x35: {  	p3 =	seq.s32 s10, $0x0  }
0x36: {  	p3 =	por !p1, !p3  }
0x37: {  	s10 =	simm.s32 $0x1;
	p3 =	por !p3, !p3  }
0x38: {  	s10 =	simm.s32 @!p3 $0x0  }
0x39: {  	s10 =	ssub.s32 s12, s10  }
0x3a: {  	s10 =	sshll.u32 s10, $0x9  }
0x3b: {  	s10 =	sshra.s32 s10, $0x2  }
0x3c: {  	v3 =	vld.idx.msk [tilespmem:v0+s10+$0x0 ss:$0x1], $0xffff  }
0x3d: {  	v4 =	vld.idx.msk [tilespmem:v0+s10+$0x10 ss:$0x1], $0xffff;
	_ =	sdelay $0x3  }
0x3e: {  	(v2sf) =	vpush v3, $0x0  }
0x3f: {  	(v2sf) =	vpush v4, $0x0;
	_ =	sdelay $0xd  }
0x40: {  	s10 =	spop (v2sf)  }
0x41: {  	s16 =	spop (v2sf);
	p3 =	sge.s32 s10, s8  }
0x42: {  	p4 =	slt.s32 @!p3 s16, s3  }
0x43: {  	p3 =	por p3, p4  }
.Ltmp4:
0x44: {  	_ = 	snop;
	(pc) =	sbr.rel @p3 .LBB2_4-.Ltmp4, $1  }
0x45: {  	_ =	sdelay $0x3  }
0x46: {  	[tilespmem:s4], [sflag:$0x5] =	stream.linear.gather [hbm4b:s11+s4], $0x400, $0x38;
	[tilespmem:$0x1DC00] =	vst v63  }
0x47: {  	_ =	swait.ge [sflag:s15], $0x400  }
0x48: {  	[sflag:s15] =	ssyncset.done $0x0  }
0x49: {  	[sflag:s15] =	ssyncadd.s32 $0xFFFFFC00  }
0x4a: {  	v3 =	vld [tilespmem:$0x0]  }
0x4b: {  	v4 =	vld [tilespmem:$0x10]  }
0x4c: {  	v5 =	vld [tilespmem:$0x20]  }
0x4d: {  	v6 =	vld [tilespmem:$0x30]  }
0x4e: {  	v8 =	vld [tilespmem:$0x40]  }
0x4f: {  	v9 =	vld [tilespmem:$0x50]  }
0x50: {  	v10 =	vld [tilespmem:$0x60]  }
0x51: {  	v11 =	vld [tilespmem:$0x70]  }
0x52: {  	v12 =	vld [tilespmem:$0x80]  }
0x53: {  	v14 =	vld [tilespmem:$0x90]  }
0x54: {  	v15 =	vld [tilespmem:$0xA0]  }
0x55: {  	v16 =	vld [tilespmem:$0xB0]  }
0x56: {  	v17 =	vld [tilespmem:$0xC0]  }
0x57: {  	v18 =	vld [tilespmem:$0xD0];
	vm0 =	vge.s32 v3, v1  }
0x58: {  	v19 =	vld [tilespmem:$0xE0];
	vm1 =	vlt.s32 v3, v2;
	vm2 =	vge.s32 v4, v1;
	vm3 =	vlt.s32 v4, v2  }
0x59: {  	v20 =	vld [tilespmem:$0xF0];
	v3 =	vsub.s32 v3, v1;
	v4 =	vsub.s32 v4, v1;
	vm14 =	vge.s32 v5, v1  }
0x5a: {  	v21 =	vld [tilespmem:$0x100];
	vm15 =	vlt.s32 v5, v2;
	v46 =	vsub.s32 v5, v1;
	vm6 =	vge.s32 v6, v1  }
0x5b: {  	v22 =	vld [tilespmem:$0x110];
	vm7 =	vlt.s32 v6, v2;
	v47 =	vsub.s32 v6, v1;
	vm9 =	vge.s32 v8, v1  }
0x5c: {  	v29 =	vld [tilespmem:$0x1A0];
	vm10 =	vlt.s32 v8, v2;
	vm11 =	vge.s32 v9, v1;
	vm12 =	vlt.s32 v9, v2  }
0x5d: {  	v30 =	vld [tilespmem:$0x1B0];
	v48 =	vsub.s32 v8, v1;
	v9 =	vsub.s32 v9, v1;
	v50 =	vsub.s32 v10, v1  }
0x5e: {  	v51 =	vsub.s32 v11, v1;
	v53 =	vsub.s32 v12, v1;
	v55 =	vsub.s32 v14, v1  }
0x5f: {  	vm4 =	vge.s32 v16, v1;
	v56 =	vsub.s32 v15, v1;
	v57 =	vsub.s32 v16, v1  }
0x60: {  	v60 =	vsub.s32 v17, v1;
	v61 =	vsub.s32 v18, v1;
	v32 =	vsub.s32 v19, v1  }
0x61: {  	v33 =	vsub.s32 v20, v1;
	v35 =	vsub.s32 v21, v1;
	v36 =	vsub.s32 v22, v1  }
0x62: {  	v40 =	vsub.s32 v29, v1;
	v42 =	vsub.s32 v30, v1;
	vm0 =	vmand vm0, vm1  }
0x63: {  	vm13 =	vmand vm2, vm3;
	vm5 =	vmand vm14, vm15;
	vm8 =	vmand vm6, vm7  }
0x64: {  	vm1 =	vmand vm11, vm12;
	vm14 =	vlt.s32 v10, v2;
	vm15 =	vge.s32 v11, v1  }
0x65: {  	v31 =	vld [tilespmem:$0x1C0];
	vm6 =	vlt.s32 v11, v2;
	vm11 =	vge.s32 v14, v1;
	vm12 =	vlt.s32 v14, v2  }
0x66: {  	v7 =	vnsel vm0, $0x1400, v3;
	v3 =	vnsel vm13, $0x1400, v4;
	v4 =	vnsel vm5, $0x1400, v46  }
0x67: {  	v5 =	vnsel vm8, $0x1400, v47;
	vm0 =	vmand vm9, vm10;
	v49 =	vnsel vm1, $0x1400, v9  }
0x68: {  	vm13 =	vge.s32 v10, v1;
	vm7 =	vmand vm15, vm6;
	vm8 =	vge.s32 v12, v1  }
0x69: {  	v41 =	vld [tilespmem:$0x1E0];
	vm9 =	vlt.s32 v12, v2;
	vm15 =	vlt.s32 v15, v2;
	vm5 =	vlt.s32 v16, v2  }
0x6a: {  	v45 =	vld [tilespmem:$0x200];
	vm6 =	vge.s32 v17, v1;
	v46 =	vsub.s32 v31, v1;
	v8 =	vnsel vm0, $0x1400, v48  }
0x6b: {  	vm0 =	vmand vm13, vm14;
	v52 =	vnsel vm7, $0x1400, v51;
	vm10 =	vmand vm8, vm9  }
0x6c: {  	vm13 =	vmand vm11, vm12;
	vm14 =	vge.s32 v15, v1;
	vm1 =	vmand vm4, vm5  }
0x6d: {  	v23 =	vld [tilespmem:$0x120];
	vm7 =	vlt.s32 v17, v2;
	vm8 =	vge.s32 v18, v1;
	vm9 =	vlt.s32 v18, v2  }
0x6e: {  	v34 =	vld [tilespmem:$0x130];
	vm11 =	vge.s32 v19, v1;
	vm12 =	vlt.s32 v19, v2;
	vm5 =	vge.s32 v21, v1  }
0x6f: {  	v43 =	vld [tilespmem:$0x1F0];
	[tilespmem:$0x30] =	vst v5;
	v51 =	vsub.s32 v41, v1;
	v5 =	vsub.s32 v45, v1;
	v13 =	vnsel vm0, $0x1400, v50  }
0x70: {  	v54 =	vnsel vm10, $0x1400, v53;
	v10 =	vnsel vm13, $0x1400, v55;
	vm0 =	vmand vm14, vm15  }
0x71: {  	v59 =	vnsel vm1, $0x1400, v57;
	vm10 =	vmand vm8, vm9;
	vm13 =	vmand vm11, vm12  }
0x72: {  	v24 =	vld [tilespmem:$0x140];
	vm14 =	vge.s32 v20, v1;
	vm15 =	vlt.s32 v20, v2;
	vm8 =	vlt.s32 v22, v2  }
0x73: {  	v39 =	vld [tilespmem:$0x150];
	vm9 =	vge.s32 v23, v1;
	vm11 =	vge.s32 v34, v1;
	vm12 =	vlt.s32 v34, v2  }
0x74: {  	v26 =	vld [tilespmem:$0x170];
	v20 =	vsub.s32 v34, v1;
	v53 =	vsub.s32 v43, v1;
	v58 =	vnsel vm0, $0x1400, v56  }
0x75: {  	vm0 =	vmand vm6, vm7;
	v63 =	vnsel vm10, $0x1400, v61;
	v16 =	vnsel vm13, $0x1400, v32  }
0x76: {  	vm4 =	vmand vm14, vm15;
	vm6 =	vlt.s32 v21, v2;
	vm7 =	vge.s32 v22, v1  }
0x77: {  	v27 =	vld [tilespmem:$0x180];
	vm10 =	vlt.s32 v23, v2;
	v23 =	vsub.s32 v23, v1;
	vm13 =	vmand vm11, vm12  }
0x78: {  	v28 =	vld [tilespmem:$0x190];
	vm14 =	vge.s32 v24, v1;
	vm15 =	vlt.s32 v24, v2;
	v24 =	vsub.s32 v24, v1  }
0x79: {  	v21 =	vsub.s32 v39, v1;
	vm11 =	vge.s32 v26, v1;
	vm12 =	vlt.s32 v26, v2  }
0x7a: {  	v26 =	vsub.s32 v26, v1;
	v62 =	vnsel vm0, $0x1400, v60;
	v17 =	vnsel vm4, $0x1400, v33  }
0x7b: {  	v25 =	vld [tilespmem:$0x160];
	vm0 =	vmand vm5, vm6;
	vm1 =	vmand vm7, vm8;
	v20 =	vnsel vm13, $0x1400, v20  }
0x7c: {  	vm5 =	vmand vm14, vm15;
	vm6 =	vge.s32 v39, v1;
	vm7 =	vlt.s32 v39, v2  }
0x7d: {  	vm13 =	vge.s32 v27, v1;
	vm14 =	vlt.s32 v27, v2;
	vm15 =	vge.s32 v28, v1  }
0x7e: {  	v27 =	vsub.s32 v27, v1;
	v37 =	vnsel vm0, $0x1400, v35;
	v38 =	vnsel vm1, $0x1400, v36  }
0x7f: {  	vm0 =	vmand vm9, vm10;
	v24 =	vnsel vm5, $0x1400, v24;
	vm8 =	vmand vm6, vm7  }
0x80: {  	vm9 =	vge.s32 v25, v1;
	vm10 =	vlt.s32 v25, v2;
	v25 =	vsub.s32 v25, v1  }
0x81: {  	vm1 =	vmand vm11, vm12;
	vm6 =	vlt.s32 v28, v2;
	v28 =	vsub.s32 v28, v1  }
0x82: {  	vm11 =	vge.s32 v30, v1;
	vm12 =	vlt.s32 v30, v2;
	v23 =	vnsel vm0, $0x1400, v23  }
0x83: {  	v50 =	vld [tilespmem:$0x210];
	v21 =	vnsel vm8, $0x1400, v21;
	vm0 =	vmand vm9, vm10;
	v26 =	vnsel vm1, $0x1400, v26  }
0x84: {  	[tilespmem:$0x70] =	vst v52;
	v52 =	vld [tilespmem:$0x220];
	vm7 =	vmand vm15, vm6;
	vm8 =	vge.s32 v29, v1;
	vm9 =	vlt.s32 v29, v2  }
0x85: {  	v57 =	vld [tilespmem:$0x250];
	vm15 =	vlt.s32 v31, v2;
	vm6 =	vge.s32 v41, v1;
	v25 =	vnsel vm0, $0x1400, v25  }
0x86: {  	[tilespmem:$0x0] =	vst v7;
	v32 =	vld [tilespmem:$0x1D0];
	vm0 =	vmand vm13, vm14;
	v28 =	vnsel vm7, $0x1400, v28;
	vm10 =	vmand vm8, vm9  }
0x87: {  	[tilespmem:$0x40] =	vst v8;
	vm13 =	vmand vm11, vm12;
	vm14 =	vge.s32 v31, v1;
	vm7 =	vlt.s32 v41, v2  }
0x88: {  	[tilespmem:$0x80] =	vst v54;
	v54 =	vld [tilespmem:$0x230];
	vm8 =	vge.s32 v43, v1;
	vm9 =	vlt.s32 v43, v2;
	vm11 =	vge.s32 v45, v1  }
0x89: {  	[tilespmem:$0x60] =	vst v13;
	v56 =	vld [tilespmem:$0x240];
	vm12 =	vlt.s32 v45, v2;
	v8 =	vsub.s32 v50, v1;
	v13 =	vsub.s32 v52, v1  }
0x8a: {  	[tilespmem:$0x10] =	vst v3;
	v34 =	vld [tilespmem:$0x310];
	v12 =	vsub.s32 v57, v1;
	v27 =	vnsel vm0, $0x1400, v27;
	v3 =	vnsel vm10, $0x1400, v40  }
0x8b: {  	[tilespmem:$0x20] =	vst v4;
	v61 =	vld [tilespmem:$0x280];
	v44 =	vnsel vm13, $0x1400, v42;
	vm0 =	vmand vm14, vm15;
	vm4 =	vge.s32 v32, v1  }
0x8c: {  	[tilespmem:$0x50] =	vst v49;
	vm5 =	vlt.s32 v32, v2;
	v47 =	vsub.s32 v32, v1;
	vm10 =	vmand vm8, vm9  }
0x8d: {  	[tilespmem:$0xB0] =	vst v59;
	vm13 =	vmand vm11, vm12;
	vm14 =	vge.s32 v50, v1;
	vm15 =	vlt.s32 v50, v2  }
0x8e: {  	[tilespmem:$0xA0] =	vst v58;
	v58 =	vld [tilespmem:$0x260];
	vm8 =	vlt.s32 v54, v2;
	v59 =	vsub.s32 v54, v1;
	vm9 =	vge.s32 v56, v1  }
0x8f: {  	[tilespmem:$0xD0] =	vst v63;
	v60 =	vld [tilespmem:$0x270];
	vm11 =	vge.s32 v57, v1;
	vm12 =	vlt.s32 v57, v2;
	v11 =	vsub.s32 v56, v1  }
0x90: {  	v63 =	vld [tilespmem:$0x2A0];
	[tilespmem:$0xF0] =	vst v17;
	v17 =	vsub.s32 v61, v1;
	v40 =	vsub.s32 v34, v1;
	vm1 =	vmand vm4, vm5  }
0x91: {  	[tilespmem:$0x90] =	vst v10;
	v39 =	vld [tilespmem:$0x340];
	v48 =	vnsel vm0, $0x1400, v46;
	vm0 =	vmand vm6, vm7;
	v55 =	vnsel vm10, $0x1400, v53  }
0x92: {  	[tilespmem:$0xE0] =	vst v16;
	v5 =	vnsel vm13, $0x1400, v5;
	vm4 =	vmand vm14, vm15;
	vm5 =	vge.s32 v52, v1  }
0x93: {  	[tilespmem:$0xC0] =	vst v62;
	vm6 =	vlt.s32 v52, v2;
	vm7 =	vge.s32 v54, v1;
	vm10 =	vlt.s32 v56, v2  }
0x94: {  	v62 =	vld [tilespmem:$0x290];
	[tilespmem:$0x130] =	vst v20;
	vm13 =	vmand vm11, vm12;
	vm14 =	vge.s32 v58, v1;
	vm15 =	vlt.s32 v58, v2  }
0x95: {  	[tilespmem:$0x100] =	vst v37;
	v14 =	vsub.s32 v58, v1;
	v16 =	vsub.s32 v60, v1;
	vm11 =	vlt.s32 v61, v2  }
0x96: {  	v30 =	vld [tilespmem:$0x2F0];
	[tilespmem:$0x1A0] =	vst v3;
	v3 =	vsub.s32 v63, v1;
	v45 =	vsub.s32 v39, v1;
	v49 =	vnsel vm1, $0x1400, v47  }
0x97: {  	[tilespmem:$0x110] =	vst v38;
	v9 =	vnsel vm0, $0x1400, v51;
	v8 =	vnsel vm4, $0x1400, v8;
	vm0 =	vmand vm5, vm6  }
0x98: {  	[tilespmem:$0x140] =	vst v24;
	vm1 =	vmand vm7, vm8;
	v12 =	vnsel vm13, $0x1400, v12;
	vm6 =	vmand vm14, vm15  }
0x99: {  	v24 =	vld [tilespmem:$0x2B0];
	[tilespmem:$0x120] =	vst v23;
	vm7 =	vge.s32 v60, v1;
	vm8 =	vlt.s32 v60, v2;
	vm12 =	vge.s32 v62, v1  }
0x9a: {  	v36 =	vld [tilespmem:$0x320];
	[tilespmem:$0x150] =	vst v21;
	vm13 =	vlt.s32 v62, v2;
	v18 =	vsub.s32 v62, v1;
	vm14 =	vge.s32 v63, v1  }
0x9b: {  	v38 =	vld [tilespmem:$0x330];
	[tilespmem:$0x170] =	vst v26;
	vm15 =	vlt.s32 v63, v2;
	vm5 =	vge.s32 v30, v1;
	v37 =	vsub.s32 v30, v1  }
0x9c: {  	v26 =	vld [tilespmem:$0x2C0];
	[tilespmem:$0x160] =	vst v25;
	v13 =	vnsel vm0, $0x1400, v13;
	v15 =	vnsel vm1, $0x1400, v59;
	vm0 =	vmand vm9, vm10  }
0x9d: {  	v41 =	vld [tilespmem:$0x350];
	[tilespmem:$0x190] =	vst v28;
	v14 =	vnsel vm6, $0x1400, v14;
	vm9 =	vmand vm7, vm8;
	vm10 =	vge.s32 v61, v1  }
0x9e: {  	v43 =	vld [tilespmem:$0x370];
	[tilespmem:$0x180] =	vst v27;
	vm1 =	vmand vm12, vm13;
	vm6 =	vge.s32 v24, v1;
	vm7 =	vlt.s32 v24, v2  }
0x9f: {  	v29 =	vsub.s32 v24, v1;
	[tilespmem:$0x210] =	vst v8;
	v8 =	vsub.s32 v36, v1;
	v11 =	vnsel vm0, $0x1400, v11  }
0xa0: {  	v28 =	vld [tilespmem:$0x2E0];
	[tilespmem:$0x1B0] =	vst v44;
	v16 =	vnsel vm9, $0x1400, v16;
	vm0 =	vmand vm10, vm11;
	v18 =	vnsel vm1, $0x1400, v18  }
0xa1: {  	v32 =	vld [tilespmem:$0x300];
	[tilespmem:$0x1C0] =	vst v48;
	vm8 =	vmand vm6, vm7;
	vm9 =	vge.s32 v26, v1;
	vm10 =	vlt.s32 v26, v2  }
0xa2: {  	v31 =	vsub.s32 v26, v1;
	vm6 =	vlt.s32 v30, v2;
	[tilespmem:$0x220] =	vst v13;
	v13 =	vsub.s32 v38, v1  }
0xa3: {  	v42 =	vld [tilespmem:$0x360];
	[tilespmem:$0x1F0] =	vst v55;
	v46 =	vsub.s32 v41, v1;
	v52 =	vsub.s32 v43, v1;
	v17 =	vnsel vm0, $0x1400, v17  }
0xa4: {  	v27 =	vld [tilespmem:$0x2D0];
	[tilespmem:$0x200] =	vst v5;
	vm0 =	vmand vm14, vm15;
	v6 =	vnsel vm8, $0x1400, v29;
	vm11 =	vmand vm9, vm10  }
0xa5: {  	[tilespmem:$0x1D0] =	vst v49;
	vm15 =	vge.s32 v28, v1;
	vm4 =	vlt.s32 v28, v2;
	v4 =	vsub.s32 v28, v1  }
0xa6: {  	v44 =	vld [tilespmem:$0x380];
	[tilespmem:$0x1E0] =	vst v9;
	vm1 =	vmand vm5, vm6;
	vm7 =	vge.s32 v32, v1;
	vm8 =	vlt.s32 v32, v2  }
0xa7: {  	v53 =	vld [tilespmem:$0x3B0];
	[tilespmem:$0x250] =	vst v12;
	vm9 =	vge.s32 v34, v1;
	vm10 =	vlt.s32 v34, v2;
	v9 =	vsub.s32 v32, v1  }
0xa8: {  	v56 =	vld [tilespmem:$0x3D0];
	[tilespmem:$0x230] =	vst v15;
	vm6 =	vge.s32 v39, v1;
	v50 =	vsub.s32 v42, v1;
	v3 =	vnsel vm0, $0x1400, v3  }
0xa9: {  	[tilespmem:$0x260] =	vst v14;
	vm12 =	vge.s32 v27, v1;
	vm13 =	vlt.s32 v27, v2;
	v7 =	vnsel vm11, $0x1400, v31  }
0xaa: {  	[tilespmem:$0x240] =	vst v11;
	v33 =	vsub.s32 v27, v1;
	vm0 =	vmand vm15, vm4;
	v10 =	vnsel vm1, $0x1400, v37  }
0xab: {  	[tilespmem:$0x270] =	vst v16;
	vm11 =	vmand vm9, vm10;
	vm15 =	vge.s32 v38, v1;
	vm4 =	vlt.s32 v38, v2  }
0xac: {  	v51 =	vld [tilespmem:$0x3A0];
	[tilespmem:$0x2B0] =	vst v6;
	vm9 =	vlt.s32 v41, v2;
	vm10 =	vge.s32 v42, v1;
	v6 =	vsub.s32 v44, v1  }
0xad: {  	[tilespmem:$0x290] =	vst v18;
	v60 =	vsub.s32 v53, v1;
	v62 =	vsub.s32 v56, v1;
	vm14 =	vmand vm12, vm13  }
0xae: {  	[tilespmem:$0x280] =	vst v17;
	v4 =	vnsel vm0, $0x1400, v4;
	vm0 =	vmand vm7, vm8;
	vm12 =	vge.s32 v36, v1  }
0xaf: {  	v49 =	vld [tilespmem:$0x390];
	vm13 =	vlt.s32 v36, v2;
	v12 =	vnsel vm11, $0x1400, v40;
	vm5 =	vmand vm15, vm4;
	[tilespmem:$0x2A0] =	vst v3  }
0xb0: {  	vm7 =	vlt.s32 v39, v2;
	vm8 =	vge.s32 v41, v1;
	[tilespmem:$0x2C0] =	vst v7;
	vm11 =	vlt.s32 v42, v2  }
0xb1: {  	[tilespmem:$0x2F0] =	vst v10;
	vm15 =	vge.s32 v44, v1;
	v59 =	vsub.s32 v51, v1;
	v35 =	vnsel vm14, $0x1400, v33  }
0xb2: {  	v9 =	vnsel vm0, $0x1400, v9;
	vm14 =	vmand vm12, vm13;
	v3 =	vnsel vm5, $0x1400, v13;
	[tilespmem:$0x2E0] =	vst v4  }
0xb3: {  	vm0 =	vmand vm6, vm7;
	vm1 =	vmand vm8, vm9;
	vm12 =	vge.s32 v43, v1;
	[tilespmem:$0x310] =	vst v12  }
0xb4: {  	v54 =	vld [tilespmem:$0x3C0];
	vm13 =	vlt.s32 v43, v2;
	vm6 =	vlt.s32 v44, v2;
	vm8 =	vge.s32 v49, v1;
	[tilespmem:$0x2D0] =	vst v35  }
0xb5: {  	vm9 =	vlt.s32 v49, v2;
	v55 =	vsub.s32 v49, v1;
	v8 =	vnsel vm14, $0x1400, v8;
	[tilespmem:$0x300] =	vst v9  }
0xb6: {  	v47 =	vnsel vm0, $0x1400, v45;
	v48 =	vnsel vm1, $0x1400, v46;
	vm0 =	vmand vm10, vm11;
	[tilespmem:$0x330] =	vst v3  }
0xb7: {  	v58 =	vld [tilespmem:$0x3E0];
	vm14 =	vmand vm12, vm13;
	vm7 =	vmand vm15, vm6;
	vm10 =	vmand vm8, vm9;
	[tilespmem:$0x320] =	vst v8  }
0xb8: {  	vm11 =	vge.s32 v51, v1;
	vm12 =	vlt.s32 v51, v2;
	vm13 =	vge.s32 v53, v1;
	[tilespmem:$0x340] =	vst v47  }
0xb9: {  	vm15 =	vge.s32 v54, v1;
	vm6 =	vlt.s32 v54, v2;
	v4 =	vnsel vm0, $0x1400, v50;
	[tilespmem:$0x350] =	vst v48  }
0xba: {  	v61 =	vld [tilespmem:$0x3F0];
	vm8 =	vlt.s32 v56, v2;
	v9 =	vnsel vm14, $0x1400, v52;
	v3 =	vnsel vm7, $0x1400, v6;
	[tilespmem:$0x360] =	vst v4  }
0xbb: {  	v57 =	vnsel vm10, $0x1400, v55;
	vm0 =	vmand vm11, vm12;
	vm14 =	vlt.s32 v53, v2;
	[tilespmem:$0x370] =	vst v9  }
0xbc: {  	vm7 =	vge.s32 v56, v1;
	vm10 =	vge.s32 v58, v1;
	vm11 =	vlt.s32 v58, v2;
	[tilespmem:$0x380] =	vst v3  }
0xbd: {  	vm1 =	vmand vm13, vm14;
	v4 =	vnsel vm0, $0x1400, v59;
	[tilespmem:$0x390] =	vst v57;
	vm0 =	vmand vm15, vm6  }
0xbe: {  	v3 =	vsub.s32 v54, v1;
	vm9 =	vmand vm7, vm8;
	v7 =	vnsel vm1, $0x1400, v60;
	[tilespmem:$0x3A0] =	vst v4  }
0xbf: {  	vm12 =	vmand vm10, vm11;
	vm13 =	vge.s32 v61, v1;
	v3 =	vnsel vm0, $0x1400, v3;
	[tilespmem:$0x3B0] =	vst v7  }
0xc0: {  	vm14 =	vlt.s32 v61, v2;
	v4 =	vnsel vm9, $0x1400, v62;
	[tilespmem:$0x3C0] =	vst v3;
	v3 =	vsub.s32 v58, v1  }
0xc1: {  	v63 =	vsub.s32 v61, v1;
	vm15 =	vmand vm13, vm14;
	[tilespmem:$0x3D0] =	vst v4;
	v3 =	vnsel vm12, $0x1400, v3  }
0xc2: {  	[tilespmem:$0x3E0] =	vst v3;
	v3 =	vnsel vm15, $0x1400, v63  }
0xc3: {  	s10 =	sadd.s32 s9, s13;
	[tilespmem:$0x3F0] =	vst v3  }
0xc4: {  	[tilespmem:s18], [sflag:$0x1] =	stream.linear.gather [hbm4b:s10+s4], $0x8000, $0x38;
	[tilespmem:$0x1DC00] =	vst v63  }
0xc5: {  	s16 =	sadd.s32 $0x1000, s10  }
0xc6: {  	[tilespmem:s19], [sflag:$0x2] =	stream.linear.gather [hbm4b:s16+s4], $0x8000, $0x38;
	[tilespmem:$0x1DC00] =	vst v63  }
0xc7: {  	_ =	swait.ge [sflag:s17], $0x8000  }
0xc8: {  	[sflag:s17] =	ssyncset.done $0x0  }
0xc9: {  	[sflag:s17] =	ssyncadd.s32 $0xFFFF8000  }
0xca: {  	[spmem:s1] =	stream.indirect.scatter.add.f32 [tilespmem:s18], [sflag:$0x3], $0x80, s4, s20, $0xb8;
	[tilespmem:$0x1DC00] =	vst v63  }
0xcb: {  	_ = 	snop  }
0xcc: {  	[spmem:s1] =	stream.indirect.scatter.add.f32 [tilespmem:s21], [sflag:$0x3], $0x80, s20, s20, $0xb8;
	[tilespmem:$0x1DC00] =	vst v63  }
0xcd: {  	_ =	swait.ge [sflag:s22], $0x4000  }
0xce: {  	[sflag:s22] =	ssyncset.done $0x0  }
0xcf: {  	[sflag:s22] =	ssyncadd.s32 $0xFFFFC000  }
0xd0: {  	_ =	swait.ge [sflag:s22], $0x4000  }
0xd1: {  	[sflag:s22] =	ssyncset.done $0x0  }
0xd2: {  	s16 =	sadd.s32 $0x2000, s10;
	[sflag:s22] =	ssyncadd.s32 $0xFFFFC000  }
0xd3: {  	[tilespmem:s18], [sflag:$0x1] =	stream.linear.gather [hbm4b:s16+s4], $0x8000, $0x38;
	[tilespmem:$0x1DC00] =	vst v63  }
0xd4: {  	_ =	swait.ge [sflag:s23], $0x8000  }
0xd5: {  	[sflag:s23] =	ssyncset.done $0x0  }
0xd6: {  	[sflag:s23] =	ssyncadd.s32 $0xFFFF8000  }
0xd7: {  	[spmem:s1] =	stream.indirect.scatter.add.f32 [tilespmem:s19], [sflag:$0x4], $0x80, s25, s20, $0xb8;
	[tilespmem:$0x1DC00] =	vst v63  }
0xd8: {  	_ = 	snop  }
0xd9: {  	[spmem:s1] =	stream.indirect.scatter.add.f32 [tilespmem:s28], [sflag:$0x4], $0x80, s26, s20, $0xb8;
	[tilespmem:$0x1DC00] =	vst v63  }
0xda: {  	_ =	swait.ge [sflag:s29], $0x4000  }
0xdb: {  	[sflag:s29] =	ssyncset.done $0x0  }
0xdc: {  	[sflag:s29] =	ssyncadd.s32 $0xFFFFC000  }
0xdd: {  	_ =	swait.ge [sflag:s29], $0x4000  }
0xde: {  	[sflag:s29] =	ssyncset.done $0x0  }
0xdf: {  	s10 =	sadd.s32 $0x3000, s10;
	[sflag:s29] =	ssyncadd.s32 $0xFFFFC000  }
0xe0: {  	[tilespmem:s19], [sflag:$0x2] =	stream.linear.gather [hbm4b:s10+s4], $0x8000, $0x38;
	[tilespmem:$0x1DC00] =	vst v63  }
0xe1: {  	_ =	swait.ge [sflag:s17], $0x8000  }
0xe2: {  	[sflag:s17] =	ssyncset.done $0x0  }
0xe3: {  	[sflag:s17] =	ssyncadd.s32 $0xFFFF8000  }
0xe4: {  	[spmem:s1] =	stream.indirect.scatter.add.f32 [tilespmem:s18], [sflag:$0x3], $0x80, s30, s20, $0xb8;
	[tilespmem:$0x1DC00] =	vst v63  }
0xe5: {  	_ = 	snop  }
0xe6: {  	[spmem:s1] =	stream.indirect.scatter.add.f32 [tilespmem:s21], [sflag:$0x3], $0x80, s31, s20, $0xb8;
	[tilespmem:$0x1DC00] =	vst v63  }
0xe7: {  	_ =	swait.ge [sflag:s23], $0x8000  }
0xe8: {  	[sflag:s23] =	ssyncset.done $0x0  }
0xe9: {  	[sflag:s23] =	ssyncadd.s32 $0xFFFF8000  }
0xea: {  	[spmem:s1] =	stream.indirect.scatter.add.f32 [tilespmem:s19], [sflag:$0x4], $0x80, s0, s20, $0xb8;
	[tilespmem:$0x1DC00] =	vst v63  }
0xeb: {  	_ = 	snop  }
0xec: {  	[spmem:s1] =	stream.indirect.scatter.add.f32 [tilespmem:s28], [sflag:$0x4], $0x80, s14, s20, $0xb8;
	[tilespmem:$0x1DC00] =	vst v63  }
0xed: {  	_ =	swait.ge [sflag:s22], $0x4000  }
0xee: {  	[sflag:s22] =	ssyncset.done $0x0  }
0xef: {  	[sflag:s22] =	ssyncadd.s32 $0xFFFFC000  }
0xf0: {  	_ =	swait.ge [sflag:s22], $0x4000  }
0xf1: {  	[sflag:s22] =	ssyncset.done $0x0  }
0xf2: {  	[sflag:s22] =	ssyncadd.s32 $0xFFFFC000  }
0xf3: {  	_ =	swait.ge [sflag:s29], $0x4000  }
.Ltmp5:
0xf4: {  	[sflag:s29] =	ssyncset.done $0x0;
	(pc) =	sbr.rel .LBB2_4-.Ltmp5, $4  }
0xf5: {  	[sflag:s29] =	ssyncadd.s32 $0xFFFFC000  }
0xf6: {  	_ =	swait.ge [sflag:s29], $0x4000  }
0xf7: {  	[sflag:s29] =	ssyncset.done $0x0  }
0xf8: {  	[sflag:s29] =	ssyncadd.s32 $0xFFFFC000  }
.LBB2_6:
0xf9: {  	_ =	sfence.sel $0x180000  }
0xfa: {  	[bflag:$0x0] =	sbarrier.arrive $0xFFFF  }
0xfb: {  	_ =	strace $0x90000047  }
0xfc: {  	[bflag:$0x2] =	sbarrier.arrive $0xFFFF  }
0xfd: {  	s0 =	rddreg [dreg:$0x3]  }
0xfe: {  	s0 =	sadd.s32 @!p0 $0x100000, s0  }
0xff: {  	[sflag:s0] =	ssyncadd.tile.s32 @!p0 $0x1;
	_ =	shalt  }
.Lfunc_end2:
_tile_overlayer_lowered:
.L_overlay_start_2:
0x100: {  	(tag) =	ssettag $0x2  }
0x101: {  	s0 =	rddreg [dreg:$0x0];
	s2 =	stileid.u32  }
0x102: {  	s1 =	rddreg [dreg:$0x1];
	p0 =	sne.s32 s2, $0x0  }
0x103: {  	s3 =	rddreg [dreg:$0x2];
	[bflag:$0x3] =	sbarrier.arrive $0xFFFF;
	s2 =	simm.s32 @!p0 $0x1C05  }
0x104: {  	[timem:s3], [sflag:s2] =	dma.local @!p0 [hbm:s0], s1  }
0x105: {  	s0 =	simm.s32 @!p0 $0x5  }
0x106: {  	_ =	swait.ge @!p0 [sflag:s0], s1  }
0x107: {  	s1 =	ssub.s32 @!p0 $0x0, s1;
	[sflag:s0] =	ssyncset.done @!p0 $0x0  }
0x108: {  	[sflag:s0] =	ssyncadd.s32 @!p0 s1  }
0x109: {  	[bflag:$0x3] =	sbarrier.arrive $0xFFFF  }
0x10a: {  	_ =	shalt  }

</sc_bundles>
